<compile_context>
chip_gen: v7x
topology: tpu7x:2x2x1
jax: 0.10.2.dev20260603
libtpu: 0.0.44.dev20260713+nightly
codegen_flags: <defaults>
</compile_context>

<pallas_src>
import functools

import jax
import jax.numpy as jnp
from jax import lax
from jax.experimental import pallas as pl
from jax.experimental.pallas import tpu as pltpu
from jax.experimental.pallas import tpu_sc as plsc

BM = 512
NUM_WORKERS = 32


def _routing_metadata(expert_indices, num_experts):
    T, K = expert_indices.shape
    N = T * K
    E = num_experts
    n_blocks = N // BM + E - 1

    flat_e = expert_indices.reshape(-1).astype(jnp.int32)
    onehot = flat_e[None, :] == jnp.arange(E, dtype=jnp.int32)[:, None]
    incl = jnp.cumsum(onehot.astype(jnp.int32), axis=1)
    counts = incl[:, -1]
    padded_counts = ((counts + BM - 1) // BM) * BM
    gstart = jnp.concatenate(
        [jnp.zeros((1,), jnp.int32),
         jnp.cumsum(padded_counts)[:-1].astype(jnp.int32)])
    pos = jnp.sum(
        jnp.where(onehot, incl + (gstart - 1)[:, None], 0), axis=0)

    pos_k = pos.reshape(T, K).T
    pos_kt = pos_k.reshape(-1)

    bstart = jnp.arange(n_blocks, dtype=jnp.int32) * BM
    gend = gstart + padded_counts
    block_expert = jnp.sum(
        (bstart[:, None] >= gend[None, :]).astype(jnp.int32), axis=1)
    block_expert = jnp.minimum(block_expert, E - 1).astype(jnp.int32)
    block_valid = (bstart < gend[-1]).astype(jnp.int32)
    return block_expert, block_valid, pos_k, pos_kt, n_blocks


def _sc_permute(x, pos_k, npad, chunk):
    T, H = x.shape
    K = pos_k.shape[0]
    t_per_w = T // NUM_WORKERS
    nchunks = t_per_w // chunk
    idx3 = pos_k.reshape(K, NUM_WORKERS, nchunks, chunk)
    mesh = plsc.VectorSubcoreMesh(core_axis_name="c", subcore_axis_name="s")

    @functools.partial(
        pl.kernel,
        mesh=mesh,
        out_type=jax.ShapeDtypeStruct((npad, H), x.dtype),
        scratch_types=[
            pltpu.VMEM((K, nchunks, chunk), jnp.int32),
            pltpu.VMEM((chunk, H), x.dtype),
            pltpu.VMEM((chunk, H), x.dtype),
            pltpu.SemaphoreType.DMA,
            pltpu.SemaphoreType.DMA,
            pltpu.SemaphoreType.DMA,
        ],
    )
    def k(x_hbm, idx_hbm, out_hbm, idx_v, buf_a, buf_b, sem_a, sem_b, sem_s):
        wid = lax.axis_index("s") * 2 + lax.axis_index("c")
        pltpu.async_copy(idx_hbm.at[:, wid], idx_v, sem_a).wait()
        base = wid * t_per_w

        @pl.loop(0, nchunks, step=2)
        def _(c):
            ra = pltpu.async_copy(
                x_hbm.at[pl.ds(base + c * chunk, chunk)], buf_a, sem_a)
            rb = pltpu.async_copy(
                x_hbm.at[pl.ds(base + (c + 1) * chunk, chunk)], buf_b, sem_b)
            ra.wait()
            sa = [pltpu.async_copy(buf_a, out_hbm.at[idx_v.at[kk].at[c]],
                                   sem_s) for kk in range(K)]
            rb.wait()
            sb = [pltpu.async_copy(buf_b, out_hbm.at[idx_v.at[kk].at[c + 1]],
                                   sem_s) for kk in range(K)]
            for cp in sa + sb:
                cp.wait()

    return k(x, idx3)


def _sc_unpermute(y, pos_kt, chunk):
    H = y.shape[1]
    n = pos_kt.shape[0]
    rows_per_w = n // NUM_WORKERS
    nchunks = rows_per_w // chunk
    idx3 = pos_kt.reshape(NUM_WORKERS, nchunks, chunk)
    mesh = plsc.VectorSubcoreMesh(core_axis_name="c", subcore_axis_name="s")

    @functools.partial(
        pl.kernel,
        mesh=mesh,
        out_type=jax.ShapeDtypeStruct((n, H), y.dtype),
        scratch_types=[
            pltpu.VMEM((nchunks, chunk), jnp.int32),
            pltpu.VMEM((chunk, H), y.dtype),
            pltpu.VMEM((chunk, H), y.dtype),
            pltpu.SemaphoreType.DMA,
            pltpu.SemaphoreType.DMA,
            pltpu.SemaphoreType.DMA,
        ],
    )
    def k(y_hbm, idx_hbm, out_hbm, idx_v, buf_a, buf_b, sem_a, sem_b, sem_s):
        wid = lax.axis_index("s") * 2 + lax.axis_index("c")
        pltpu.async_copy(idx_hbm.at[wid], idx_v, sem_a).wait()
        base = wid * rows_per_w

        @pl.loop(0, nchunks, step=2)
        def _(c):
            ga = pltpu.async_copy(y_hbm.at[idx_v.at[c]], buf_a, sem_a)
            gb = pltpu.async_copy(y_hbm.at[idx_v.at[c + 1]], buf_b, sem_b)
            ga.wait()
            wa = pltpu.async_copy(
                buf_a, out_hbm.at[pl.ds(base + c * chunk, chunk)], sem_s)
            gb.wait()
            wb = pltpu.async_copy(
                buf_b, out_hbm.at[pl.ds(base + (c + 1) * chunk, chunk)], sem_s)
            wa.wait()
            wb.wait()

    return k(y, idx3)


def _ffn_body(be_ref, bv_ref, xs_ref, w1_ref, w3_ref, w2_ref, y_ref):
    @pl.when(bv_ref[pl.program_id(0)] != 0)
    def _():
        xb = xs_ref[...].astype(jnp.bfloat16)
        w1b = w1_ref[0].astype(jnp.bfloat16)
        w3b = w3_ref[0].astype(jnp.bfloat16)
        w2b = w2_ref[0].astype(jnp.bfloat16)
        g = jnp.dot(xb, w1b, preferred_element_type=jnp.float32)
        u = jnp.dot(xb, w3b, preferred_element_type=jnp.float32)
        h = ((g * lax.logistic(g)) * u).astype(jnp.bfloat16)
        y_ref[...] = jnp.dot(h, w2b, preferred_element_type=jnp.float32)


def _grouped_ffn(block_expert, block_valid, xs, w1, w3, w2, n_blocks,
                 interpret=False):
    npad, H = xs.shape
    I = w1.shape[2]
    grid_spec = pltpu.PrefetchScalarGridSpec(
        num_scalar_prefetch=2,
        grid=(n_blocks,),
        in_specs=[
            pl.BlockSpec((BM, H), lambda i, be, bv: (i, 0)),
            pl.BlockSpec((1, H, I), lambda i, be, bv: (be[i], 0, 0)),
            pl.BlockSpec((1, H, I), lambda i, be, bv: (be[i], 0, 0)),
            pl.BlockSpec((1, I, H), lambda i, be, bv: (be[i], 0, 0)),
        ],
        out_specs=pl.BlockSpec((BM, H), lambda i, be, bv: (i, 0)),
    )
    return pl.pallas_call(
        _ffn_body,
        grid_spec=grid_spec,
        out_shape=jax.ShapeDtypeStruct((npad, H), jnp.float32),
        compiler_params=pltpu.CompilerParams(
            vmem_limit_bytes=64 * 1024 * 1024),
        interpret=interpret,
    )(block_expert, block_valid, xs, w1, w3, w2)


def _combine_body(*refs):
    out_ref = refs[-1]
    acc = refs[0][...] * refs[1][...]
    for j in range(2, len(refs) - 1, 2):
        acc = acc + refs[j][...] * refs[j + 1][...]
    out_ref[...] = acc


def _combine(yu, expert_weights, T, K, interpret=False):
    H = yu.shape[1]
    BT = 512
    nb = T // BT
    ew_col = expert_weights.T.reshape(K * T, 1)
    in_specs = []
    args = []
    for k in range(K):
        in_specs.append(
            pl.BlockSpec((BT, H),
                         functools.partial(lambda k, i: (k * nb + i, 0), k)))
        args.append(yu)
        in_specs.append(
            pl.BlockSpec((BT, 1),
                         functools.partial(lambda k, i: (k * nb + i, 0), k)))
        args.append(ew_col)
    return pl.pallas_call(
        _combine_body,
        grid=(nb,),
        in_specs=in_specs,
        out_specs=pl.BlockSpec((BT, H), lambda i: (i, 0)),
        out_shape=jax.ShapeDtypeStruct((T, H), jnp.float32),
        interpret=interpret,
    )(*args)


def kernel(x, expert_indices, expert_weights, w1, w2, w3):
    T, H = x.shape
    K = expert_indices.shape[1]
    E = w1.shape[0]

    block_expert, block_valid, pos_k, pos_kt, n_blocks = _routing_metadata(
        expert_indices, E)
    npad = n_blocks * BM

    xs = _sc_permute(x, pos_k, npad, chunk=32)
    y = _grouped_ffn(block_expert, block_valid, xs, w1, w3, w2, n_blocks)
    yu = _sc_unpermute(y, pos_kt, chunk=32)
    return _combine(yu, expert_weights.astype(jnp.float32), T, K)

# --- scband reference (transcript-rebuilt; emitter-appended) ---
"""Pipeline reference for scband-grouped-mo-eexperts-81527069212691 (READ-ONLY COPY).

The authoritative reference and input builder live on the scoring server;
editing this copy changes nothing except your own understanding.
"""

import jax, jax.numpy as jnp
import numpy as np

E, H, I = 8, 1024, 2048
T, K = 4096, 2


def setup_inputs(seed: int = 0) -> dict:
    key = jax.random.key(seed)
    ks = jax.random.split(key, 6)
    x = jax.random.normal(ks[0], (T, H), dtype=jnp.float32)
    expert_indices = jax.random.randint(ks[1], (T, K), 0, E, dtype=jnp.int64) if jax.config.jax_enable_x64 else jax.random.randint(ks[1], (T, K), 0, E, dtype=jnp.int32)
    expert_weights = jax.random.uniform(ks[2], (T, K), dtype=jnp.float32)
    b1 = float(np.sqrt(6.0 / H))
    b2 = float(np.sqrt(6.0 / I))
    w1 = jax.random.uniform(ks[3], (E, H, I), minval=-b1, maxval=b1, dtype=jnp.float32)
    w2 = jax.random.uniform(ks[4], (E, I, H), minval=-b2, maxval=b2, dtype=jnp.float32)
    w3 = jax.random.uniform(ks[5], (E, H, I), minval=-b1, maxval=b1, dtype=jnp.float32)
    return {"x": x, "expert_indices": expert_indices, "expert_weights": expert_weights, "w1": w1, "w2": w2, "w3": w3}


def reference(x, expert_indices, expert_weights, w1, w2, w3):
    batch_seq, top_k = expert_indices.shape
    num_experts = w1.shape[0]
    hidden_size = x.shape[1]
    flat_indices = expert_indices.reshape(-1)
    flat_weights = expert_weights.reshape(-1)
    # x.unsqueeze(1).expand(-1, top_k, -1).reshape(-1, H) == repeat each row top_k times
    x_repeated = jnp.repeat(x, top_k, axis=0)
    sorted_indices = jnp.argsort(flat_indices)
    sorted_expert_ids = flat_indices[sorted_indices]
    sorted_x = x_repeated[sorted_indices]
    sorted_weights = flat_weights[sorted_indices]
    output = jnp.zeros_like(sorted_x)
    for expert_id in range(num_experts):
        gate = jax.nn.silu(sorted_x @ w1[expert_id])
        up = sorted_x @ w3[expert_id]
        hidden = gate * up
        expert_out = hidden @ w2[expert_id]
        mask = (sorted_expert_ids == expert_id)[:, None]
        output = jnp.where(mask, expert_out, output)
    output = output * sorted_weights[:, None]
    unsort_indices = jnp.argsort(sorted_indices)
    output = output[unsort_indices]
    output = output.reshape(batch_seq, top_k, hidden_size).sum(axis=1)
    return output

if __name__ == "__main__":
    import jax
    _d = setup_inputs()
    print(jax.jit(kernel)(*tuple(_d.values())))

</pallas_src>

<mosaic_0001>
#map = affine_map<(d0, d1) -> (0, 0)>
#map1 = affine_map<(d0, d1) -> (0, 0, 0, 0)>
module attributes {stable_mosaic.version = 14 : i64} {
  func.func @k(%arg0: i32, %arg1: i32, %arg2: memref<4096x1024xf32, #tpu.memory_space<hbm>>, %arg3: memref<2x32x4x32xi32, #tpu.memory_space<hbm>>, %arg4: memref<11776x1024xf32, #tpu.memory_space<hbm>>, %arg5: memref<2x4x32xi32, #tpu.memory_space<vmem>>, %arg6: memref<32x1024xf32, #tpu.memory_space<vmem>>, %arg7: memref<32x1024xf32, #tpu.memory_space<vmem>>, %arg8: memref<!tpu.dma_semaphore, #tpu.memory_space<semaphore_mem>>, %arg9: memref<!tpu.dma_semaphore, #tpu.memory_space<semaphore_mem>>, %arg10: memref<!tpu.dma_semaphore, #tpu.memory_space<semaphore_mem>>) attributes {dimension_semantics = [#tpu.dimension_semantics<core_parallel>, #tpu.dimension_semantics<subcore_parallel>], iteration_bounds = array<i64: 2, 16>, scalar_prefetch = 0 : i64, scratch_operands = 6 : i64, tpu.core_type = #tpu.core_type<sc_vector_subcore>, window_params = [{transform_indices = #map}, {transform_indices = #map1}, {transform_indices = #map}]} {
    %mul3A = arith.constant 2 : i32
    %mul3A_0 = arith.muli %arg1, %mul3A : i32
    %add3A = arith.addi %mul3A_0, %arg0 : i32
    %dma_start3A = arith.constant 0 : i32
    %dma_start3A_1 = arith.constant 0 : i32
    %dma_start3A_2 = arith.constant 0 : i32
    %dma_start3A_3 = tpu.memref_slice %arg3[%dma_start3A, %add3A, %dma_start3A_1, %dma_start3A_2] : memref<2x32x4x32xi32, #tpu.memory_space<hbm>> -> memref<2x1x4x32xi32, #tpu.memory_space<hbm>>
    %dma_start3A_4 = tpu.memref_squeeze %dma_start3A_3 : memref<2x1x4x32xi32, #tpu.memory_space<hbm>> -> memref<2x4x32xi32, #tpu.memory_space<hbm>>
    %dma_start3A_5 = arith.constant 0 : i32
    %dma_start3A_6 = arith.constant 0 : i32
    %dma_start3A_7 = arith.constant 0 : i32
    %dma_start3A_8 = tpu.memref_slice %arg3[%dma_start3A_5, %add3A, %dma_start3A_6, %dma_start3A_7] : memref<2x32x4x32xi32, #tpu.memory_space<hbm>> -> memref<2x1x4x32xi32, #tpu.memory_space<hbm>>
    %dma_start3A_9 = tpu.memref_squeeze %dma_start3A_8 : memref<2x1x4x32xi32, #tpu.memory_space<hbm>> -> memref<2x4x32xi32, #tpu.memory_space<hbm>>
    tpu.enqueue_dma source(%dma_start3A_9 : memref<2x4x32xi32, #tpu.memory_space<hbm>>) target(%arg5 : memref<2x4x32xi32, #tpu.memory_space<vmem>>) target_semaphore(%arg8 : memref<!tpu.dma_semaphore, #tpu.memory_space<semaphore_mem>>)
    %dma_wait3A = arith.constant 0 : i32
    %dma_wait3A_10 = arith.constant 0 : i32
    %dma_wait3A_11 = arith.constant 0 : i32
    %dma_wait3A_12 = tpu.memref_slice %arg3[%dma_wait3A, %add3A, %dma_wait3A_10, %dma_wait3A_11] : memref<2x32x4x32xi32, #tpu.memory_space<hbm>> -> memref<2x1x4x32xi32, #tpu.memory_space<hbm>>
    %dma_wait3A_13 = tpu.memref_squeeze %dma_wait3A_12 : memref<2x1x4x32xi32, #tpu.memory_space<hbm>> -> memref<2x4x32xi32, #tpu.memory_space<hbm>>
    %dma_wait3A_14 = arith.constant 0 : i32
    %dma_wait3A_15 = arith.constant 0 : i32
    %dma_wait3A_16 = arith.constant 0 : i32
    %dma_wait3A_17 = tpu.memref_slice %arg3[%dma_wait3A_14, %add3A, %dma_wait3A_15, %dma_wait3A_16] : memref<2x32x4x32xi32, #tpu.memory_space<hbm>> -> memref<2x1x4x32xi32, #tpu.memory_space<hbm>>
    %dma_wait3A_18 = tpu.memref_squeeze %dma_wait3A_17 : memref<2x1x4x32xi32, #tpu.memory_space<hbm>> -> memref<2x4x32xi32, #tpu.memory_space<hbm>>
    tpu.wait_dma2 semaphore(%arg8 : memref<!tpu.dma_semaphore, #tpu.memory_space<semaphore_mem>>) src(%dma_wait3A_18 : memref<2x4x32xi32, #tpu.memory_space<hbm>>) dst(%arg5 : memref<2x4x32xi32, #tpu.memory_space<vmem>>)
    %mul3A_19 = arith.constant 128 : i32
    %mul3A_20 = arith.muli %add3A, %mul3A_19 : i32
    %scan3A = arith.constant 0 : i32
    %scan3A_21 = arith.constant 2 : i32
    %scan3A_22 = arith.addi %scan3A, %scan3A_21 : i32
    %scan3A_23 = arith.constant 1 : i32
    scf.for %scan3A_25 = %scan3A to %scan3A_22 step %scan3A_23  : i32 {
      %mul3A_26 = arith.constant 2 : i32
      %mul3A_27 = arith.muli %scan3A_25, %mul3A_26 : i32
      %add3A_28 = arith.constant 0 : i32
      %add3A_29 = arith.addi %add3A_28, %mul3A_27 : i32
      %mul3A_30 = arith.constant 32 : i32
      %mul3A_31 = arith.muli %add3A_29, %mul3A_30 : i32
      %add3A_32 = arith.addi %mul3A_20, %mul3A_31 : i32
      %dma_start3A_33 = arith.constant 0 : i32
      %dma_start3A_34 = tpu.memref_slice %arg2[%add3A_32, %dma_start3A_33] : memref<4096x1024xf32, #tpu.memory_space<hbm>> -> memref<32x1024xf32, #tpu.memory_space<hbm>>
      %dma_start3A_35 = arith.constant 0 : i32
      %dma_start3A_36 = tpu.memref_slice %arg2[%add3A_32, %dma_start3A_35] : memref<4096x1024xf32, #tpu.memory_space<hbm>> -> memref<32x1024xf32, #tpu.memory_space<hbm>>
      tpu.enqueue_dma source(%dma_start3A_36 : memref<32x1024xf32, #tpu.memory_space<hbm>>) target(%arg6 : memref<32x1024xf32, #tpu.memory_space<vmem>>) target_semaphore(%arg8 : memref<!tpu.dma_semaphore, #tpu.memory_space<semaphore_mem>>)
      %add3A_37 = arith.constant 1 : i32
      %add3A_38 = arith.addi %add3A_29, %add3A_37 : i32
      %mul3A_39 = arith.constant 32 : i32
      %mul3A_40 = arith.muli %add3A_38, %mul3A_39 : i32
      %add3A_41 = arith.addi %mul3A_20, %mul3A_40 : i32
      %dma_start3A_42 = arith.constant 0 : i32
      %dma_start3A_43 = tpu.memref_slice %arg2[%add3A_41, %dma_start3A_42] : memref<4096x1024xf32, #tpu.memory_space<hbm>> -> memref<32x1024xf32, #tpu.memory_space<hbm>>
      %dma_start3A_44 = arith.constant 0 : i32
      %dma_start3A_45 = tpu.memref_slice %arg2[%add3A_41, %dma_start3A_44] : memref<4096x1024xf32, #tpu.memory_space<hbm>> -> memref<32x1024xf32, #tpu.memory_space<hbm>>
      tpu.enqueue_dma source(%dma_start3A_45 : memref<32x1024xf32, #tpu.memory_space<hbm>>) target(%arg7 : memref<32x1024xf32, #tpu.memory_space<vmem>>) target_semaphore(%arg9 : memref<!tpu.dma_semaphore, #tpu.memory_space<semaphore_mem>>)
      %dma_wait3A_46 = arith.constant 0 : i32
      %dma_wait3A_47 = tpu.memref_slice %arg2[%add3A_32, %dma_wait3A_46] : memref<4096x1024xf32, #tpu.memory_space<hbm>> -> memref<32x1024xf32, #tpu.memory_space<hbm>>
      %dma_wait3A_48 = arith.constant 0 : i32
      %dma_wait3A_49 = tpu.memref_slice %arg2[%add3A_32, %dma_wait3A_48] : memref<4096x1024xf32, #tpu.memory_space<hbm>> -> memref<32x1024xf32, #tpu.memory_space<hbm>>
      tpu.wait_dma2 semaphore(%arg8 : memref<!tpu.dma_semaphore, #tpu.memory_space<semaphore_mem>>) src(%dma_wait3A_49 : memref<32x1024xf32, #tpu.memory_space<hbm>>) dst(%arg6 : memref<32x1024xf32, #tpu.memory_space<vmem>>)
      %dma_start3A_50 = arith.constant 0 : i32
      %dma_start3A_51 = arith.constant 0 : i32
      %dma_start3A_52 = arith.constant 0 : i32
      %dma_start3A_53 = tpu.memref_slice %arg5[%dma_start3A_50, %dma_start3A_51, %dma_start3A_52] : memref<2x4x32xi32, #tpu.memory_space<vmem>> -> memref<1x4x32xi32, #tpu.memory_space<vmem>>
      %dma_start3A_54 = tpu.memref_squeeze %dma_start3A_53 : memref<1x4x32xi32, #tpu.memory_space<vmem>> -> memref<4x32xi32, #tpu.memory_space<vmem>>
      %dma_start3A_55 = arith.constant 0 : i32
      %dma_start3A_56 = tpu.memref_slice %dma_start3A_54[%add3A_29, %dma_start3A_55] : memref<4x32xi32, #tpu.memory_space<vmem>> -> memref<1x32xi32, #tpu.memory_space<vmem>>
      %dma_start3A_57 = tpu.memref_squeeze %dma_start3A_56 : memref<1x32xi32, #tpu.memory_space<vmem>> -> memref<32xi32, #tpu.memory_space<vmem>>
      %dma_start3A_58 = arith.constant 0 : i32
      %dma_start3A_59 = arith.constant 0 : i32
      %dma_start3A_60 = tpu.memref_slice %arg4[%dma_start3A_58, %dma_start3A_59] : memref<11776x1024xf32, #tpu.memory_space<hbm>> -> memref<11776x1024xf32, #tpu.memory_space<hbm>>
      tpu.enqueue_indirect_dma source(%arg6 : memref<32x1024xf32, #tpu.memory_space<vmem>>) target(%dma_start3A_60 : memref<11776x1024xf32, #tpu.memory_space<hbm>>) offsets(%dma_start3A_57 : memref<32xi32, #tpu.memory_space<vmem>>) semaphore(%arg10 : memref<!tpu.dma_semaphore, #tpu.memory_space<semaphore_mem>>)
      %dma_start3A_61 = arith.constant 1 : i32
      %dma_start3A_62 = arith.constant 0 : i32
      %dma_start3A_63 = arith.constant 0 : i32
      %dma_start3A_64 = tpu.memref_slice %arg5[%dma_start3A_61, %dma_start3A_62, %dma_start3A_63] : memref<2x4x32xi32, #tpu.memory_space<vmem>> -> memref<1x4x32xi32, #tpu.memory_space<vmem>>
      %dma_start3A_65 = tpu.memref_squeeze %dma_start3A_64 : memref<1x4x32xi32, #tpu.memory_space<vmem>> -> memref<4x32xi32, #tpu.memory_space<vmem>>
      %dma_start3A_66 = arith.constant 0 : i32
      %dma_start3A_67 = tpu.memref_slice %dma_start3A_65[%add3A_29, %dma_start3A_66] : memref<4x32xi32, #tpu.memory_space<vmem>> -> memref<1x32xi32, #tpu.memory_space<vmem>>
      %dma_start3A_68 = tpu.memref_squeeze %dma_start3A_67 : memref<1x32xi32, #tpu.memory_space<vmem>> -> memref<32xi32, #tpu.memory_space<vmem>>
      %dma_start3A_69 = arith.constant 0 : i32
      %dma_start3A_70 = arith.constant 0 : i32
      %dma_start3A_71 = tpu.memref_slice %arg4[%dma_start3A_69, %dma_start3A_70] : memref<11776x1024xf32, #tpu.memory_space<hbm>> -> memref<11776x1024xf32, #tpu.memory_space<hbm>>
      tpu.enqueue_indirect_dma source(%arg6 : memref<32x1024xf32, #tpu.memory_space<vmem>>) target(%dma_start3A_71 : memref<11776x1024xf32, #tpu.memory_space<hbm>>) offsets(%dma_start3A_68 : memref<32xi32, #tpu.memory_space<vmem>>) semaphore(%arg10 : memref<!tpu.dma_semaphore, #tpu.memory_space<semaphore_mem>>)
      %dma_wait3A_72 = arith.constant 0 : i32
      %dma_wait3A_73 = tpu.memref_slice %arg2[%add3A_41, %dma_wait3A_72] : memref<4096x1024xf32, #tpu.memory_space<hbm>> -> memref<32x1024xf32, #tpu.memory_space<hbm>>
      %dma_wait3A_74 = arith.constant 0 : i32
      %dma_wait3A_75 = tpu.memref_slice %arg2[%add3A_41, %dma_wait3A_74] : memref<4096x1024xf32, #tpu.memory_space<hbm>> -> memref<32x1024xf32, #tpu.memory_space<hbm>>
      tpu.wait_dma2 semaphore(%arg9 : memref<!tpu.dma_semaphore, #tpu.memory_space<semaphore_mem>>) src(%dma_wait3A_75 : memref<32x1024xf32, #tpu.memory_space<hbm>>) dst(%arg7 : memref<32x1024xf32, #tpu.memory_space<vmem>>)
      %add3A_76 = arith.constant 1 : i32
      %add3A_77 = arith.addi %add3A_29, %add3A_76 : i32
      %dma_start3A_78 = arith.constant 0 : i32
      %dma_start3A_79 = arith.constant 0 : i32
      %dma_start3A_80 = arith.constant 0 : i32
      %dma_start3A_81 = tpu.memref_slice %arg5[%dma_start3A_78, %dma_start3A_79, %dma_start3A_80] : memref<2x4x32xi32, #tpu.memory_space<vmem>> -> memref<1x4x32xi32, #tpu.memory_space<vmem>>
      %dma_start3A_82 = tpu.memref_squeeze %dma_start3A_81 : memref<1x4x32xi32, #tpu.memory_space<vmem>> -> memref<4x32xi32, #tpu.memory_space<vmem>>
      %dma_start3A_83 = arith.constant 0 : i32
      %dma_start3A_84 = tpu.memref_slice %dma_start3A_82[%add3A_77, %dma_start3A_83] : memref<4x32xi32, #tpu.memory_space<vmem>> -> memref<1x32xi32, #tpu.memory_space<vmem>>
      %dma_start3A_85 = tpu.memref_squeeze %dma_start3A_84 : memref<1x32xi32, #tpu.memory_space<vmem>> -> memref<32xi32, #tpu.memory_space<vmem>>
      %dma_start3A_86 = arith.constant 0 : i32
      %dma_start3A_87 = arith.constant 0 : i32
      %dma_start3A_88 = tpu.memref_slice %arg4[%dma_start3A_86, %dma_start3A_87] : memref<11776x1024xf32, #tpu.memory_space<hbm>> -> memref<11776x1024xf32, #tpu.memory_space<hbm>>
      tpu.enqueue_indirect_dma source(%arg7 : memref<32x1024xf32, #tpu.memory_space<vmem>>) target(%dma_start3A_88 : memref<11776x1024xf32, #tpu.memory_space<hbm>>) offsets(%dma_start3A_85 : memref<32xi32, #tpu.memory_space<vmem>>) semaphore(%arg10 : memref<!tpu.dma_semaphore, #tpu.memory_space<semaphore_mem>>)
      %add3A_89 = arith.constant 1 : i32
      %add3A_90 = arith.addi %add3A_29, %add3A_89 : i32
      %dma_start3A_91 = arith.constant 1 : i32
      %dma_start3A_92 = arith.constant 0 : i32
      %dma_start3A_93 = arith.constant 0 : i32
      %dma_start3A_94 = tpu.memref_slice %arg5[%dma_start3A_91, %dma_start3A_92, %dma_start3A_93] : memref<2x4x32xi32, #tpu.memory_space<vmem>> -> memref<1x4x32xi32, #tpu.memory_space<vmem>>
      %dma_start3A_95 = tpu.memref_squeeze %dma_start3A_94 : memref<1x4x32xi32, #tpu.memory_space<vmem>> -> memref<4x32xi32, #tpu.memory_space<vmem>>
      %dma_start3A_96 = arith.constant 0 : i32
      %dma_start3A_97 = tpu.memref_slice %dma_start3A_95[%add3A_90, %dma_start3A_96] : memref<4x32xi32, #tpu.memory_space<vmem>> -> memref<1x32xi32, #tpu.memory_space<vmem>>
      %dma_start3A_98 = tpu.memref_squeeze %dma_start3A_97 : memref<1x32xi32, #tpu.memory_space<vmem>> -> memref<32xi32, #tpu.memory_space<vmem>>
      %dma_start3A_99 = arith.constant 0 : i32
      %dma_start3A_100 = arith.constant 0 : i32
      %dma_start3A_101 = tpu.memref_slice %arg4[%dma_start3A_99, %dma_start3A_100] : memref<11776x1024xf32, #tpu.memory_space<hbm>> -> memref<11776x1024xf32, #tpu.memory_space<hbm>>
      tpu.enqueue_indirect_dma source(%arg7 : memref<32x1024xf32, #tpu.memory_space<vmem>>) target(%dma_start3A_101 : memref<11776x1024xf32, #tpu.memory_space<hbm>>) offsets(%dma_start3A_98 : memref<32xi32, #tpu.memory_space<vmem>>) semaphore(%arg10 : memref<!tpu.dma_semaphore, #tpu.memory_space<semaphore_mem>>)
      %dma_wait3A_102 = arith.constant 0 : i32
      %dma_wait3A_103 = arith.constant 0 : i32
      %dma_wait3A_104 = arith.constant 0 : i32
      %dma_wait3A_105 = tpu.memref_slice %arg5[%dma_wait3A_102, %dma_wait3A_103, %dma_wait3A_104] : memref<2x4x32xi32, #tpu.memory_space<vmem>> -> memref<1x4x32xi32, #tpu.memory_space<vmem>>
      %dma_wait3A_106 = tpu.memref_squeeze %dma_wait3A_105 : memref<1x4x32xi32, #tpu.memory_space<vmem>> -> memref<4x32xi32, #tpu.memory_space<vmem>>
      %dma_wait3A_107 = arith.constant 0 : i32
      %dma_wait3A_108 = tpu.memref_slice %dma_wait3A_106[%add3A_29, %dma_wait3A_107] : memref<4x32xi32, #tpu.memory_space<vmem>> -> memref<1x32xi32, #tpu.memory_space<vmem>>
      %dma_wait3A_109 = tpu.memref_squeeze %dma_wait3A_108 : memref<1x32xi32, #tpu.memory_space<vmem>> -> memref<32xi32, #tpu.memory_space<vmem>>
      %dma_wait3A_110 = arith.constant 0 : i32
      %dma_wait3A_111 = arith.constant 0 : i32
      %dma_wait3A_112 = tpu.memref_slice %arg4[%dma_wait3A_110, %dma_wait3A_111] : memref<11776x1024xf32, #tpu.memory_space<hbm>> -> memref<11776x1024xf32, #tpu.memory_space<hbm>>
      tpu.wait_indirect_dma semaphore(%arg10 : memref<!tpu.dma_semaphore, #tpu.memory_space<semaphore_mem>>) src(%arg6 : memref<32x1024xf32, #tpu.memory_space<vmem>>) dst(%dma_wait3A_112 : memref<11776x1024xf32, #tpu.memory_space<hbm>>)
      %dma_wait3A_113 = arith.constant 1 : i32
      %dma_wait3A_114 = arith.constant 0 : i32
      %dma_wait3A_115 = arith.constant 0 : i32
      %dma_wait3A_116 = tpu.memref_slice %arg5[%dma_wait3A_113, %dma_wait3A_114, %dma_wait3A_115] : memref<2x4x32xi32, #tpu.memory_space<vmem>> -> memref<1x4x32xi32, #tpu.memory_space<vmem>>
      %dma_wait3A_117 = tpu.memref_squeeze %dma_wait3A_116 : memref<1x4x32xi32, #tpu.memory_space<vmem>> -> memref<4x32xi32, #tpu.memory_space<vmem>>
      %dma_wait3A_118 = arith.constant 0 : i32
      %dma_wait3A_119 = tpu.memref_slice %dma_wait3A_117[%add3A_29, %dma_wait3A_118] : memref<4x32xi32, #tpu.memory_space<vmem>> -> memref<1x32xi32, #tpu.memory_space<vmem>>
      %dma_wait3A_120 = tpu.memref_squeeze %dma_wait3A_119 : memref<1x32xi32, #tpu.memory_space<vmem>> -> memref<32xi32, #tpu.memory_space<vmem>>
      %dma_wait3A_121 = arith.constant 0 : i32
      %dma_wait3A_122 = arith.constant 0 : i32
      %dma_wait3A_123 = tpu.memref_slice %arg4[%dma_wait3A_121, %dma_wait3A_122] : memref<11776x1024xf32, #tpu.memory_space<hbm>> -> memref<11776x1024xf32, #tpu.memory_space<hbm>>
      tpu.wait_indirect_dma semaphore(%arg10 : memref<!tpu.dma_semaphore, #tpu.memory_space<semaphore_mem>>) src(%arg6 : memref<32x1024xf32, #tpu.memory_space<vmem>>) dst(%dma_wait3A_123 : memref<11776x1024xf32, #tpu.memory_space<hbm>>)
      %dma_wait3A_124 = arith.constant 0 : i32
      %dma_wait3A_125 = arith.constant 0 : i32
      %dma_wait3A_126 = arith.constant 0 : i32
      %dma_wait3A_127 = tpu.memref_slice %arg5[%dma_wait3A_124, %dma_wait3A_125, %dma_wait3A_126] : memref<2x4x32xi32, #tpu.memory_space<vmem>> -> memref<1x4x32xi32, #tpu.memory_space<vmem>>
      %dma_wait3A_128 = tpu.memref_squeeze %dma_wait3A_127 : memref<1x4x32xi32, #tpu.memory_space<vmem>> -> memref<4x32xi32, #tpu.memory_space<vmem>>
      %dma_wait3A_129 = arith.constant 0 : i32
      %dma_wait3A_130 = tpu.memref_slice %dma_wait3A_128[%add3A_77, %dma_wait3A_129] : memref<4x32xi32, #tpu.memory_space<vmem>> -> memref<1x32xi32, #tpu.memory_space<vmem>>
      %dma_wait3A_131 = tpu.memref_squeeze %dma_wait3A_130 : memref<1x32xi32, #tpu.memory_space<vmem>> -> memref<32xi32, #tpu.memory_space<vmem>>
      %dma_wait3A_132 = arith.constant 0 : i32
      %dma_wait3A_133 = arith.constant 0 : i32
      %dma_wait3A_134 = tpu.memref_slice %arg4[%dma_wait3A_132, %dma_wait3A_133] : memref<11776x1024xf32, #tpu.memory_space<hbm>> -> memref<11776x1024xf32, #tpu.memory_space<hbm>>
      tpu.wait_indirect_dma semaphore(%arg10 : memref<!tpu.dma_semaphore, #tpu.memory_space<semaphore_mem>>) src(%arg7 : memref<32x1024xf32, #tpu.memory_space<vmem>>) dst(%dma_wait3A_134 : memref<11776x1024xf32, #tpu.memory_space<hbm>>)
      %dma_wait3A_135 = arith.constant 1 : i32
      %dma_wait3A_136 = arith.constant 0 : i32
      %dma_wait3A_137 = arith.constant 0 : i32
      %dma_wait3A_138 = tpu.memref_slice %arg5[%dma_wait3A_135, %dma_wait3A_136, %dma_wait3A_137] : memref<2x4x32xi32, #tpu.memory_space<vmem>> -> memref<1x4x32xi32, #tpu.memory_space<vmem>>
      %dma_wait3A_139 = tpu.memref_squeeze %dma_wait3A_138 : memref<1x4x32xi32, #tpu.memory_space<vmem>> -> memref<4x32xi32, #tpu.memory_space<vmem>>
      %dma_wait3A_140 = arith.constant 0 : i32
      %dma_wait3A_141 = tpu.memref_slice %dma_wait3A_139[%add3A_90, %dma_wait3A_140] : memref<4x32xi32, #tpu.memory_space<vmem>> -> memref<1x32xi32, #tpu.memory_space<vmem>>
      %dma_wait3A_142 = tpu.memref_squeeze %dma_wait3A_141 : memref<1x32xi32, #tpu.memory_space<vmem>> -> memref<32xi32, #tpu.memory_space<vmem>>
      %dma_wait3A_143 = arith.constant 0 : i32
      %dma_wait3A_144 = arith.constant 0 : i32
      %dma_wait3A_145 = tpu.memref_slice %arg4[%dma_wait3A_143, %dma_wait3A_144] : memref<11776x1024xf32, #tpu.memory_space<hbm>> -> memref<11776x1024xf32, #tpu.memory_space<hbm>>
      tpu.wait_indirect_dma semaphore(%arg10 : memref<!tpu.dma_semaphore, #tpu.memory_space<semaphore_mem>>) src(%arg7 : memref<32x1024xf32, #tpu.memory_space<vmem>>) dst(%dma_wait3A_145 : memref<11776x1024xf32, #tpu.memory_space<hbm>>)
    }
    %scan3A_24 = arith.constant 2 : i32
    return
  }
}

#map = affine_map<(d0, d1) -> (0, 0)>
#map1 = affine_map<(d0, d1) -> (0, 0, 0)>
module attributes {stable_mosaic.version = 14 : i64} {
  func.func @k(%arg0: i32, %arg1: i32, %arg2: memref<11776x1024xf32, #tpu.memory_space<hbm>>, %arg3: memref<32x8x32xi32, #tpu.memory_space<hbm>>, %arg4: memref<8192x1024xf32, #tpu.memory_space<hbm>>, %arg5: memref<8x32xi32, #tpu.memory_space<vmem>>, %arg6: memref<32x1024xf32, #tpu.memory_space<vmem>>, %arg7: memref<32x1024xf32, #tpu.memory_space<vmem>>, %arg8: memref<!tpu.dma_semaphore, #tpu.memory_space<semaphore_mem>>, %arg9: memref<!tpu.dma_semaphore, #tpu.memory_space<semaphore_mem>>, %arg10: memref<!tpu.dma_semaphore, #tpu.memory_space<semaphore_mem>>) attributes {dimension_semantics = [#tpu.dimension_semantics<core_parallel>, #tpu.dimension_semantics<subcore_parallel>], iteration_bounds = array<i64: 2, 16>, scalar_prefetch = 0 : i64, scratch_operands = 6 : i64, tpu.core_type = #tpu.core_type<sc_vector_subcore>, window_params = [{transform_indices = #map}, {transform_indices = #map1}, {transform_indices = #map}]} {
    %mul3A = arith.constant 2 : i32
    %mul3A_0 = arith.muli %arg1, %mul3A : i32
    %add3A = arith.addi %mul3A_0, %arg0 : i32
    %dma_start3A = arith.constant 0 : i32
    %dma_start3A_1 = arith.constant 0 : i32
    %dma_start3A_2 = tpu.memref_slice %arg3[%add3A, %dma_start3A, %dma_start3A_1] : memref<32x8x32xi32, #tpu.memory_space<hbm>> -> memref<1x8x32xi32, #tpu.memory_space<hbm>>
    %dma_start3A_3 = tpu.memref_squeeze %dma_start3A_2 : memref<1x8x32xi32, #tpu.memory_space<hbm>> -> memref<8x32xi32, #tpu.memory_space<hbm>>
    %dma_start3A_4 = arith.constant 0 : i32
    %dma_start3A_5 = arith.constant 0 : i32
    %dma_start3A_6 = tpu.memref_slice %arg3[%add3A, %dma_start3A_4, %dma_start3A_5] : memref<32x8x32xi32, #tpu.memory_space<hbm>> -> memref<1x8x32xi32, #tpu.memory_space<hbm>>
    %dma_start3A_7 = tpu.memref_squeeze %dma_start3A_6 : memref<1x8x32xi32, #tpu.memory_space<hbm>> -> memref<8x32xi32, #tpu.memory_space<hbm>>
    tpu.enqueue_dma source(%dma_start3A_7 : memref<8x32xi32, #tpu.memory_space<hbm>>) target(%arg5 : memref<8x32xi32, #tpu.memory_space<vmem>>) target_semaphore(%arg8 : memref<!tpu.dma_semaphore, #tpu.memory_space<semaphore_mem>>)
    %dma_wait3A = arith.constant 0 : i32
    %dma_wait3A_8 = arith.constant 0 : i32
    %dma_wait3A_9 = tpu.memref_slice %arg3[%add3A, %dma_wait3A, %dma_wait3A_8] : memref<32x8x32xi32, #tpu.memory_space<hbm>> -> memref<1x8x32xi32, #tpu.memory_space<hbm>>
    %dma_wait3A_10 = tpu.memref_squeeze %dma_wait3A_9 : memref<1x8x32xi32, #tpu.memory_space<hbm>> -> memref<8x32xi32, #tpu.memory_space<hbm>>
    %dma_wait3A_11 = arith.constant 0 : i32
    %dma_wait3A_12 = arith.constant 0 : i32
    %dma_wait3A_13 = tpu.memref_slice %arg3[%add3A, %dma_wait3A_11, %dma_wait3A_12] : memref<32x8x32xi32, #tpu.memory_space<hbm>> -> memref<1x8x32xi32, #tpu.memory_space<hbm>>
    %dma_wait3A_14 = tpu.memref_squeeze %dma_wait3A_13 : memref<1x8x32xi32, #tpu.memory_space<hbm>> -> memref<8x32xi32, #tpu.memory_space<hbm>>
    tpu.wait_dma2 semaphore(%arg8 : memref<!tpu.dma_semaphore, #tpu.memory_space<semaphore_mem>>) src(%dma_wait3A_14 : memref<8x32xi32, #tpu.memory_space<hbm>>) dst(%arg5 : memref<8x32xi32, #tpu.memory_space<vmem>>)
    %mul3A_15 = arith.constant 256 : i32
    %mul3A_16 = arith.muli %add3A, %mul3A_15 : i32
    %scan3A = arith.constant 0 : i32
    %scan3A_17 = arith.constant 4 : i32
    %scan3A_18 = arith.addi %scan3A, %scan3A_17 : i32
    %scan3A_19 = arith.constant 1 : i32
    scf.for %scan3A_21 = %scan3A to %scan3A_18 step %scan3A_19  : i32 {
      %mul3A_22 = arith.constant 2 : i32
      %mul3A_23 = arith.muli %scan3A_21, %mul3A_22 : i32
      %add3A_24 = arith.constant 0 : i32
      %add3A_25 = arith.addi %add3A_24, %mul3A_23 : i32
      %dma_start3A_26 = arith.constant 0 : i32
      %dma_start3A_27 = tpu.memref_slice %arg5[%add3A_25, %dma_start3A_26] : memref<8x32xi32, #tpu.memory_space<vmem>> -> memref<1x32xi32, #tpu.memory_space<vmem>>
      %dma_start3A_28 = tpu.memref_squeeze %dma_start3A_27 : memref<1x32xi32, #tpu.memory_space<vmem>> -> memref<32xi32, #tpu.memory_space<vmem>>
      %dma_start3A_29 = arith.constant 0 : i32
      %dma_start3A_30 = arith.constant 0 : i32
      %dma_start3A_31 = tpu.memref_slice %arg2[%dma_start3A_29, %dma_start3A_30] : memref<11776x1024xf32, #tpu.memory_space<hbm>> -> memref<11776x1024xf32, #tpu.memory_space<hbm>>
      tpu.enqueue_indirect_dma source(%dma_start3A_31 : memref<11776x1024xf32, #tpu.memory_space<hbm>>) target(%arg6 : memref<32x1024xf32, #tpu.memory_space<vmem>>) offsets(%dma_start3A_28 : memref<32xi32, #tpu.memory_space<vmem>>) semaphore(%arg8 : memref<!tpu.dma_semaphore, #tpu.memory_space<semaphore_mem>>)
      %add3A_32 = arith.constant 1 : i32
      %add3A_33 = arith.addi %add3A_25, %add3A_32 : i32
      %dma_start3A_34 = arith.constant 0 : i32
      %dma_start3A_35 = tpu.memref_slice %arg5[%add3A_33, %dma_start3A_34] : memref<8x32xi32, #tpu.memory_space<vmem>> -> memref<1x32xi32, #tpu.memory_space<vmem>>
      %dma_start3A_36 = tpu.memref_squeeze %dma_start3A_35 : memref<1x32xi32, #tpu.memory_space<vmem>> -> memref<32xi32, #tpu.memory_space<vmem>>
      %dma_start3A_37 = arith.constant 0 : i32
      %dma_start3A_38 = arith.constant 0 : i32
      %dma_start3A_39 = tpu.memref_slice %arg2[%dma_start3A_37, %dma_start3A_38] : memref<11776x1024xf32, #tpu.memory_space<hbm>> -> memref<11776x1024xf32, #tpu.memory_space<hbm>>
      tpu.enqueue_indirect_dma source(%dma_start3A_39 : memref<11776x1024xf32, #tpu.memory_space<hbm>>) target(%arg7 : memref<32x1024xf32, #tpu.memory_space<vmem>>) offsets(%dma_start3A_36 : memref<32xi32, #tpu.memory_space<vmem>>) semaphore(%arg9 : memref<!tpu.dma_semaphore, #tpu.memory_space<semaphore_mem>>)
      %dma_wait3A_40 = arith.constant 0 : i32
      %dma_wait3A_41 = tpu.memref_slice %arg5[%add3A_25, %dma_wait3A_40] : memref<8x32xi32, #tpu.memory_space<vmem>> -> memref<1x32xi32, #tpu.memory_space<vmem>>
      %dma_wait3A_42 = tpu.memref_squeeze %dma_wait3A_41 : memref<1x32xi32, #tpu.memory_space<vmem>> -> memref<32xi32, #tpu.memory_space<vmem>>
      %dma_wait3A_43 = arith.constant 0 : i32
      %dma_wait3A_44 = arith.constant 0 : i32
      %dma_wait3A_45 = tpu.memref_slice %arg2[%dma_wait3A_43, %dma_wait3A_44] : memref<11776x1024xf32, #tpu.memory_space<hbm>> -> memref<11776x1024xf32, #tpu.memory_space<hbm>>
      tpu.wait_indirect_dma semaphore(%arg8 : memref<!tpu.dma_semaphore, #tpu.memory_space<semaphore_mem>>) src(%dma_wait3A_45 : memref<11776x1024xf32, #tpu.memory_space<hbm>>) dst(%arg6 : memref<32x1024xf32, #tpu.memory_space<vmem>>)
      %mul3A_46 = arith.constant 32 : i32
      %mul3A_47 = arith.muli %add3A_25, %mul3A_46 : i32
      %add3A_48 = arith.addi %mul3A_16, %mul3A_47 : i32
      %dma_start3A_49 = arith.constant 0 : i32
      %dma_start3A_50 = tpu.memref_slice %arg4[%add3A_48, %dma_start3A_49] : memref<8192x1024xf32, #tpu.memory_space<hbm>> -> memref<32x1024xf32, #tpu.memory_space<hbm>>
      %dma_start3A_51 = arith.constant 0 : i32
      %dma_start3A_52 = tpu.memref_slice %arg4[%add3A_48, %dma_start3A_51] : memref<8192x1024xf32, #tpu.memory_space<hbm>> -> memref<32x1024xf32, #tpu.memory_space<hbm>>
      tpu.enqueue_dma source(%arg6 : memref<32x1024xf32, #tpu.memory_space<vmem>>) target(%dma_start3A_52 : memref<32x1024xf32, #tpu.memory_space<hbm>>) target_semaphore(%arg10 : memref<!tpu.dma_semaphore, #tpu.memory_space<semaphore_mem>>)
      %dma_wait3A_53 = arith.constant 0 : i32
      %dma_wait3A_54 = tpu.memref_slice %arg5[%add3A_33, %dma_wait3A_53] : memref<8x32xi32, #tpu.memory_space<vmem>> -> memref<1x32xi32, #tpu.memory_space<vmem>>
      %dma_wait3A_55 = tpu.memref_squeeze %dma_wait3A_54 : memref<1x32xi32, #tpu.memory_space<vmem>> -> memref<32xi32, #tpu.memory_space<vmem>>
      %dma_wait3A_56 = arith.constant 0 : i32
      %dma_wait3A_57 = arith.constant 0 : i32
      %dma_wait3A_58 = tpu.memref_slice %arg2[%dma_wait3A_56, %dma_wait3A_57] : memref<11776x1024xf32, #tpu.memory_space<hbm>> -> memref<11776x1024xf32, #tpu.memory_space<hbm>>
      tpu.wait_indirect_dma semaphore(%arg9 : memref<!tpu.dma_semaphore, #tpu.memory_space<semaphore_mem>>) src(%dma_wait3A_58 : memref<11776x1024xf32, #tpu.memory_space<hbm>>) dst(%arg7 : memref<32x1024xf32, #tpu.memory_space<vmem>>)
      %add3A_59 = arith.constant 1 : i32
      %add3A_60 = arith.addi %add3A_25, %add3A_59 : i32
      %mul3A_61 = arith.constant 32 : i32
      %mul3A_62 = arith.muli %add3A_60, %mul3A_61 : i32
      %add3A_63 = arith.addi %mul3A_16, %mul3A_62 : i32
      %dma_start3A_64 = arith.constant 0 : i32
      %dma_start3A_65 = tpu.memref_slice %arg4[%add3A_63, %dma_start3A_64] : memref<8192x1024xf32, #tpu.memory_space<hbm>> -> memref<32x1024xf32, #tpu.memory_space<hbm>>
      %dma_start3A_66 = arith.constant 0 : i32
      %dma_start3A_67 = tpu.memref_slice %arg4[%add3A_63, %dma_start3A_66] : memref<8192x1024xf32, #tpu.memory_space<hbm>> -> memref<32x1024xf32, #tpu.memory_space<hbm>>
      tpu.enqueue_dma source(%arg7 : memref<32x1024xf32, #tpu.memory_space<vmem>>) target(%dma_start3A_67 : memref<32x1024xf32, #tpu.memory_space<hbm>>) target_semaphore(%arg10 : memref<!tpu.dma_semaphore, #tpu.memory_space<semaphore_mem>>)
      %dma_wait3A_68 = arith.constant 0 : i32
      %dma_wait3A_69 = tpu.memref_slice %arg4[%add3A_48, %dma_wait3A_68] : memref<8192x1024xf32, #tpu.memory_space<hbm>> -> memref<32x1024xf32, #tpu.memory_space<hbm>>
      %dma_wait3A_70 = arith.constant 0 : i32
      %dma_wait3A_71 = tpu.memref_slice %arg4[%add3A_48, %dma_wait3A_70] : memref<8192x1024xf32, #tpu.memory_space<hbm>> -> memref<32x1024xf32, #tpu.memory_space<hbm>>
      tpu.wait_dma2 semaphore(%arg10 : memref<!tpu.dma_semaphore, #tpu.memory_space<semaphore_mem>>) src(%arg6 : memref<32x1024xf32, #tpu.memory_space<vmem>>) dst(%dma_wait3A_71 : memref<32x1024xf32, #tpu.memory_space<hbm>>)
      %dma_wait3A_72 = arith.constant 0 : i32
      %dma_wait3A_73 = tpu.memref_slice %arg4[%add3A_63, %dma_wait3A_72] : memref<8192x1024xf32, #tpu.memory_space<hbm>> -> memref<32x1024xf32, #tpu.memory_space<hbm>>
      %dma_wait3A_74 = arith.constant 0 : i32
      %dma_wait3A_75 = tpu.memref_slice %arg4[%add3A_63, %dma_wait3A_74] : memref<8192x1024xf32, #tpu.memory_space<hbm>> -> memref<32x1024xf32, #tpu.memory_space<hbm>>
      tpu.wait_dma2 semaphore(%arg10 : memref<!tpu.dma_semaphore, #tpu.memory_space<semaphore_mem>>) src(%arg7 : memref<32x1024xf32, #tpu.memory_space<vmem>>) dst(%dma_wait3A_75 : memref<32x1024xf32, #tpu.memory_space<hbm>>)
    }
    %scan3A_20 = arith.constant 4 : i32
    return
  }
}

module attributes {stable_mosaic.version = 14 : i64} {
  func.func @_ffn_body(%arg0: i32, %arg1: memref<23xi32, #tpu.memory_space<smem>>, %arg2: memref<23xi32, #tpu.memory_space<smem>>, %arg3: memref<512x1024xf32, #tpu.memory_space<vmem>>, %arg4: memref<1x1024x2048xf32, #tpu.memory_space<vmem>>, %arg5: memref<1x1024x2048xf32, #tpu.memory_space<vmem>>, %arg6: memref<1x2048x1024xf32, #tpu.memory_space<vmem>>, %arg7: memref<512x1024xf32, #tpu.memory_space<vmem>>) attributes {dimension_semantics = [#tpu.dimension_semantics<arbitrary>], iteration_bounds = array<i64: 23>, scalar_prefetch = 2 : i64, scratch_operands = 0 : i64, tpu.core_type = #tpu.core_type<tc>, window_params = [{transform_indices = @transform_0, window_bounds = array<i64: 512, 1024>}, {transform_indices = @transform_1, window_bounds = array<i64: 1, 1024, 2048>}, {transform_indices = @transform_2, window_bounds = array<i64: 1, 1024, 2048>}, {transform_indices = @transform_3, window_bounds = array<i64: 1, 2048, 1024>}, {transform_indices = @transform_4, window_bounds = array<i64: 512, 1024>}]} {
    %get3A = arith.index_cast %arg0 : i32 to index
    %get3A_0 = memref.load %arg2[%get3A] : memref<23xi32, #tpu.memory_space<smem>>
    %ne3A = arith.constant 0 : i32
    %ne3A_1 = arith.cmpi ne, %get3A_0, %ne3A : i32
    %convert_element_type3A = arith.extui %ne3A_1 : i1 to i32
    %cond3A = arith.constant 0 : i32
    %cond3A_2 = arith.cmpi ne, %convert_element_type3A, %cond3A : i32
    scf.if %cond3A_2 {
      %get3A_3 = arith.constant 0 : index
      %get3A_4 = arith.constant 0 : index
      %get3A_5 = vector.load %arg3[%get3A_3, %get3A_4] : memref<512x1024xf32, #tpu.memory_space<vmem>>, vector<512x1024xf32>
      %convert_element_type3A_6 = arith.truncf %get3A_5 : vector<512x1024xf32> to vector<512x1024xbf16>
      %get3A_7 = arith.constant 0 : index
      %get3A_8 = arith.constant 0 : index
      %get3A_9 = arith.constant 0 : index
      %get3A_10 = vector.load %arg4[%get3A_7, %get3A_8, %get3A_9] : memref<1x1024x2048xf32, #tpu.memory_space<vmem>>, vector<1x1024x2048xf32>
      %get3A_11 = vector.shape_cast %get3A_10 : vector<1x1024x2048xf32> to vector<1024x2048xf32>
      %convert_element_type3A_12 = arith.truncf %get3A_11 : vector<1024x2048xf32> to vector<1024x2048xbf16>
      %get3A_13 = arith.constant 0 : index
      %get3A_14 = arith.constant 0 : index
      %get3A_15 = arith.constant 0 : index
      %get3A_16 = vector.load %arg5[%get3A_13, %get3A_14, %get3A_15] : memref<1x1024x2048xf32, #tpu.memory_space<vmem>>, vector<1x1024x2048xf32>
      %get3A_17 = vector.shape_cast %get3A_16 : vector<1x1024x2048xf32> to vector<1024x2048xf32>
      %convert_element_type3A_18 = arith.truncf %get3A_17 : vector<1024x2048xf32> to vector<1024x2048xbf16>
      %get3A_19 = arith.constant 0 : index
      %get3A_20 = arith.constant 0 : index
      %get3A_21 = arith.constant 0 : index
      %get3A_22 = vector.load %arg6[%get3A_19, %get3A_20, %get3A_21] : memref<1x2048x1024xf32, #tpu.memory_space<vmem>>, vector<1x2048x1024xf32>
      %get3A_23 = vector.shape_cast %get3A_22 : vector<1x2048x1024xf32> to vector<2048x1024xf32>
      %convert_element_type3A_24 = arith.truncf %get3A_23 : vector<2048x1024xf32> to vector<2048x1024xbf16>
      %dot_general3A = arith.constant dense<0.000000e+00> : vector<512x2048xf32>
      %dot_general3A_25 = tpu.matmul %convert_element_type3A_6, %convert_element_type3A_12, %dot_general3A {dimension_numbers = #tpu.dot_dimension_numbers<[1], [0], [0], [1], [0, 0, 1, 1], [], []>, transpose_lhs_hint = false} : vector<512x1024xbf16>, vector<1024x2048xbf16>, vector<512x2048xf32> -> vector<512x2048xf32>
      %dot_general3A_26 = arith.constant dense<0.000000e+00> : vector<512x2048xf32>
      %dot_general3A_27 = tpu.matmul %convert_element_type3A_6, %convert_element_type3A_18, %dot_general3A_26 {dimension_numbers = #tpu.dot_dimension_numbers<[1], [0], [0], [1], [0, 0, 1, 1], [], []>, transpose_lhs_hint = false} : vector<512x1024xbf16>, vector<1024x2048xbf16>, vector<512x2048xf32> -> vector<512x2048xf32>
      %logistic3A = arith.negf %dot_general3A_25 : vector<512x2048xf32>
      %logistic3A_28 = math.exp %logistic3A : vector<512x2048xf32>
      %logistic3A_29 = arith.constant 1.000000e+00 : f32
      %logistic3A_30 = vector.broadcast %logistic3A_29 : f32 to vector<512x2048xf32>
      %logistic3A_31 = arith.addf %logistic3A_30, %logistic3A_28 : vector<512x2048xf32>
      %logistic3A_32 = arith.divf %logistic3A_30, %logistic3A_31 : vector<512x2048xf32>
      %mul3A = arith.mulf %dot_general3A_25, %logistic3A_32 : vector<512x2048xf32>
      %mul3A_33 = arith.mulf %mul3A, %dot_general3A_27 : vector<512x2048xf32>
      %convert_element_type3A_34 = arith.truncf %mul3A_33 : vector<512x2048xf32> to vector<512x2048xbf16>
      %dot_general3A_35 = arith.constant dense<0.000000e+00> : vector<512x1024xf32>
      %dot_general3A_36 = tpu.matmul %convert_element_type3A_34, %convert_element_type3A_24, %dot_general3A_35 {dimension_numbers = #tpu.dot_dimension_numbers<[1], [0], [0], [1], [0, 0, 1, 1], [], []>, transpose_lhs_hint = false} : vector<512x2048xbf16>, vector<2048x1024xbf16>, vector<512x1024xf32> -> vector<512x1024xf32>
      %swap3A = arith.constant 0 : index
      %swap3A_37 = arith.constant 0 : index
      %swap3A_38 = vector.load %arg7[%swap3A, %swap3A_37] : memref<512x1024xf32, #tpu.memory_space<vmem>>, vector<512x1024xf32>
      tpu.vector_store %arg7[%swap3A, %swap3A_37], %dot_general3A_36 {strides = array<i32>} : memref<512x1024xf32, #tpu.memory_space<vmem>>, vector<512x1024xf32>,
    } else {
    }
    return
  }
  func.func @transform_0(%arg0: i32, %arg1: memref<23xi32, #tpu.memory_space<smem>>, %arg2: memref<23xi32, #tpu.memory_space<smem>>) -> (i32, i32) {
    %c0_i32 = arith.constant 0 : i32
    %c0_i32_0 = arith.constant 0 : i32
    return %arg0, %c0_i32 : i32, i32
  }
  func.func @transform_1(%arg0: i32, %arg1: memref<23xi32, #tpu.memory_space<smem>>, %arg2: memref<23xi32, #tpu.memory_space<smem>>) -> (i32, i32, i32) {
    %get3A = arith.index_cast %arg0 : i32 to index
    %get3A_0 = memref.load %arg1[%get3A] : memref<23xi32, #tpu.memory_space<smem>>
    %c0_i32 = arith.constant 0 : i32
    %c0_i32_1 = arith.constant 0 : i32
    %c0_i32_2 = arith.constant 0 : i32
    return %get3A_0, %c0_i32, %c0_i32_1 : i32, i32, i32
  }
  func.func @transform_2(%arg0: i32, %arg1: memref<23xi32, #tpu.memory_space<smem>>, %arg2: memref<23xi32, #tpu.memory_space<smem>>) -> (i32, i32, i32) {
    %get3A = arith.index_cast %arg0 : i32 to index
    %get3A_0 = memref.load %arg1[%get3A] : memref<23xi32, #tpu.memory_space<smem>>
    %c0_i32 = arith.constant 0 : i32
    %c0_i32_1 = arith.constant 0 : i32
    %c0_i32_2 = arith.constant 0 : i32
    return %get3A_0, %c0_i32, %c0_i32_1 : i32, i32, i32
  }
  func.func @transform_3(%arg0: i32, %arg1: memref<23xi32, #tpu.memory_space<smem>>, %arg2: memref<23xi32, #tpu.memory_space<smem>>) -> (i32, i32, i32) {
    %get3A = arith.index_cast %arg0 : i32 to index
    %get3A_0 = memref.load %arg1[%get3A] : memref<23xi32, #tpu.memory_space<smem>>
    %c0_i32 = arith.constant 0 : i32
    %c0_i32_1 = arith.constant 0 : i32
    %c0_i32_2 = arith.constant 0 : i32
    return %get3A_0, %c0_i32, %c0_i32_1 : i32, i32, i32
  }
  func.func @transform_4(%arg0: i32, %arg1: memref<23xi32, #tpu.memory_space<smem>>, %arg2: memref<23xi32, #tpu.memory_space<smem>>) -> (i32, i32) {
    %c0_i32 = arith.constant 0 : i32
    %c0_i32_0 = arith.constant 0 : i32
    return %arg0, %c0_i32 : i32, i32
  }
}

module attributes {stable_mosaic.version = 14 : i64} {
  func.func @_combine_body(%arg0: i32, %arg1: memref<512x1024xf32, #tpu.memory_space<vmem>>, %arg2: memref<512x1xf32, #tpu.memory_space<vmem>>, %arg3: memref<512x1024xf32, #tpu.memory_space<vmem>>, %arg4: memref<512x1xf32, #tpu.memory_space<vmem>>, %arg5: memref<512x1024xf32, #tpu.memory_space<vmem>>) attributes {dimension_semantics = [#tpu.dimension_semantics<arbitrary>], iteration_bounds = array<i64: 8>, scalar_prefetch = 0 : i64, scratch_operands = 0 : i64, tpu.core_type = #tpu.core_type<tc>, window_params = [{transform_indices = @transform_0, window_bounds = array<i64: 512, 1024>}, {transform_indices = @transform_1, window_bounds = array<i64: 512, 1>}, {transform_indices = @transform_2, window_bounds = array<i64: 512, 1024>}, {transform_indices = @transform_3, window_bounds = array<i64: 512, 1>}, {transform_indices = @transform_4, window_bounds = array<i64: 512, 1024>}]} {
    %get3A = arith.constant 0 : index
    %get3A_0 = arith.constant 0 : index
    %get3A_1 = vector.load %arg1[%get3A, %get3A_0] : memref<512x1024xf32, #tpu.memory_space<vmem>>, vector<512x1024xf32>
    %get3A_2 = arith.constant 0 : index
    %get3A_3 = arith.constant 0 : index
    %get3A_4 = vector.load %arg2[%get3A_2, %get3A_3] : memref<512x1xf32, #tpu.memory_space<vmem>>, vector<512x1xf32>
    %mul3A = vector.broadcast %get3A_4 : vector<512x1xf32> to vector<512x1024xf32>
    %mul3A_5 = arith.mulf %get3A_1, %mul3A : vector<512x1024xf32>
    %get3A_6 = arith.constant 0 : index
    %get3A_7 = arith.constant 0 : index
    %get3A_8 = vector.load %arg3[%get3A_6, %get3A_7] : memref<512x1024xf32, #tpu.memory_space<vmem>>, vector<512x1024xf32>
    %get3A_9 = arith.constant 0 : index
    %get3A_10 = arith.constant 0 : index
    %get3A_11 = vector.load %arg4[%get3A_9, %get3A_10] : memref<512x1xf32, #tpu.memory_space<vmem>>, vector<512x1xf32>
    %mul3A_12 = vector.broadcast %get3A_11 : vector<512x1xf32> to vector<512x1024xf32>
    %mul3A_13 = arith.mulf %get3A_8, %mul3A_12 : vector<512x1024xf32>
    %add3A = arith.addf %mul3A_5, %mul3A_13 : vector<512x1024xf32>
    %swap3A = arith.constant 0 : index
    %swap3A_14 = arith.constant 0 : index
    %swap3A_15 = vector.load %arg5[%swap3A, %swap3A_14] : memref<512x1024xf32, #tpu.memory_space<vmem>>, vector<512x1024xf32>
    tpu.vector_store %arg5[%swap3A, %swap3A_14], %add3A {strides = array<i32>} : memref<512x1024xf32, #tpu.memory_space<vmem>>, vector<512x1024xf32>,
    return
  }
  func.func @transform_0(%arg0: i32) -> (i32, i32) {
    %add3A = arith.constant 0 : i32
    %add3A_0 = arith.addi %add3A, %arg0 : i32
    %c0_i32 = arith.constant 0 : i32
    %c0_i32_1 = arith.constant 0 : i32
    return %add3A_0, %c0_i32 : i32, i32
  }
  func.func @transform_1(%arg0: i32) -> (i32, i32) {
    %add3A = arith.constant 0 : i32
    %add3A_0 = arith.addi %add3A, %arg0 : i32
    %c0_i32 = arith.constant 0 : i32
    %c0_i32_1 = arith.constant 0 : i32
    return %add3A_0, %c0_i32 : i32, i32
  }
  func.func @transform_2(%arg0: i32) -> (i32, i32) {
    %add3A = arith.constant 8 : i32
    %add3A_0 = arith.addi %add3A, %arg0 : i32
    %c0_i32 = arith.constant 0 : i32
    %c0_i32_1 = arith.constant 0 : i32
    return %add3A_0, %c0_i32 : i32, i32
  }
  func.func @transform_3(%arg0: i32) -> (i32, i32) {
    %add3A = arith.constant 8 : i32
    %add3A_0 = arith.addi %add3A, %arg0 : i32
    %c0_i32 = arith.constant 0 : i32
    %c0_i32_1 = arith.constant 0 : i32
    return %add3A_0, %c0_i32 : i32, i32
  }
  func.func @transform_4(%arg0: i32) -> (i32, i32) {
    %c0_i32 = arith.constant 0 : i32
    %c0_i32_0 = arith.constant 0 : i32
    return %arg0, %c0_i32 : i32, i32
  }
}

</mosaic_0001>

<sc_bundles>
// kernel: kernel.6.cloned.1.call-start
scs
__scs_entry_jumppad:
0x0: {  	(pc) =	sbr.rel $0x88, $3  }
0x1: {  	(tag) =	ssettag $0x0;
	lr =	simm.s32 $0x1  }
0x2: {  	[smem:$0x3F9B] =	sst lr;
	_ =	strace $0xD0000000  }
0x3: {  	_ = 	snop  }
0x4: {  	_ = 	snop  }
0x5: {  	_ = 	snop  }
0x6: {  	_ = 	snop  }
0x7: {  	_ = 	snop  }
__scs_overlays_trampoline_lowered:
0x8: {  	[smem:$0x3FAA] =	sst s0  }
0x9: {  	[smem:$0x3FAB] =	sst s1  }
0xa: {  	[smem:$0x3FAC] =	sst s2  }
0xb: {  	[smem:$0x3FAD] =	sst s3  }
0xc: {  	[smem:$0x3FAE] =	sst s4  }
0xd: {  	[smem:$0x3FAF] =	sst s5  }
0xe: {  	[smem:$0x3FB0] =	sst s6  }
0xf: {  	[smem:$0x3FB1] =	sst s7  }
0x10: {  	[smem:$0x3FB2] =	sst s8  }
0x11: {  	[smem:$0x3FB3] =	sst s9;
	s0 =	simm.s32 @!p0 $0x0  }
0x12: {  	s1 =	sld [smem:$0x3F99];
	s0 =	simm.s32 @p0 $0x1  }
0x13: {  	[smem:$0x3FB4] =	sst s0;
	s0 =	simm.s32 @!p1 $0x0  }
0x14: {  	s2 =	sld [smem:$0x3F98];
	s0 =	simm.s32 @p1 $0x1  }
0x15: {  	[smem:$0x3FB5] =	sst s0;
	s0 =	simm.s32 @!p2 $0x0  }
0x16: {  	s3 =	sld [smem:$0x3FDB];
	s0 =	simm.s32 @p2 $0x1  }
0x17: {  	s4 =	simm.s32 $0x1BF5;
	[smem:$0x3FB7] =	sst s0  }
0x18: {  	s0 =	sld [smem:$0x3F9A];
	_ =	swait.ge [sflag:s4], $0x0  }
0x19: {  	s7 =	sld [smem:$0x3F9B]  }
0x1a: {  	s8 =	sadd.s32 $0xFFFFE003, lr  }
0x1b: {  	s9 =	sadd.s32 $0xFFFFFEF7, lr;
	s5 =	simm.s32 $0xFFFFFFFF;
	p2 =	slt.u32 s8, $0xFFFFF086  }
0x1c: {  	p1 =	slt.u32 s9, $0xF7A;
	s5 =	simm.s32 @!p2 $0x0  }
0x1d: {  	s5 =	simm.s32 @p1 $0x1;
	p0 =	seq.s32 s7, s2  }
0x1e: {  	s7 =	smul.u32 @!p0 $0xF7A, s2;
	p2 =	seq.s32 @!p0 s5, $0x0  }
0x1f: {  	s9 =	smul.u32 $0xF7A, s1;
	s8 =	simm.s32 @!p0 $0x1BF5;
	p2 =	por !p2, p0  }
0x20: {  	[sflag:s8] =	ssyncset.s32 @!p0 $0xFFFFF086;
	s6 =	sadd.s32 @!p0 s3, s7;
	s7 =	simm.s32 @!p0 $0x108  }
0x21: {  	s3 =	sadd.s32 s3, s9;
	s6 =	sadd.s32 @!p0 $0x88, s6;
	s7 =	simm.s32 @p2 $0x1082  }
0x22: {  	[simem:s7], [sflag:s8] =	dma.local @!p0 [hbm:s6], $0xF7A  }
0x23: {  	s9 =	sor.u32 $0xD0000000, s2;
	s6 =	simm.s32 $0x108;
	_ =	swait.ge @!p0 [sflag:s8], $0x0  }
0x24: {  	s3 =	sadd.s32 $0x88, s3;
	s6 =	simm.s32 @!p1 $0x1082;
	[sflag:s4] =	ssyncset.s32 $0xFFFFF086  }
0x25: {  	[simem:s6], [sflag:s4] =	dma.local [hbm:s3], $0xF7A  }
0x26: {  	[smem:$0x3F9B] =	sst s1;
	(tag) =	ssettag s2;
	_ =	strace s9  }
0x27: {  	s1 =	sld [smem:$0x3FAB]  }
0x28: {  	s2 =	sld [smem:$0x3FAC]  }
0x29: {  	s4 =	sld [smem:$0x3FAE]  }
0x2a: {  	p0 =	seq.s32 s5, $0x0;
	s5 =	sld [smem:$0x3FAF]  }
0x2b: {  	s6 =	sld [smem:$0x3FB0]  }
0x2c: {  	s7 =	sld [smem:$0x3FB1]  }
0x2d: {  	s3 =	simm.s32 $0x108;
	s8 =	sld [smem:$0x3FB2]  }
0x2e: {  	s3 =	simm.s32 @!p0 $0x1082;
	s9 =	sld [smem:$0x3FB3]  }
0x2f: {  	lr =	sadd.s32 s0, s3;
	s0 =	sld [smem:$0x3FAA]  }
0x30: {  	s3 =	sld [smem:$0x3FAD]  }
0x31: {  	[smem:$0x3FB6] =	sst s10  }
0x32: {  	s10 =	sld [smem:$0x3FB4];
	_ =	sdelay $0x3  }
0x33: {  	p0 =	seq.s32 s10, $0x1;
	s10 =	sld [smem:$0x3FB6];
	_ =	sdelay $0x3  }
0x34: {  	[smem:$0x3FB6] =	sst s10  }
0x35: {  	s10 =	sld [smem:$0x3FB5];
	_ =	sdelay $0x3  }
0x36: {  	p1 =	seq.s32 s10, $0x1;
	s10 =	sld [smem:$0x3FB6];
	_ =	sdelay $0x3  }
0x37: {  	[smem:$0x3FB6] =	sst s10  }
0x38: {  	s10 =	sld [smem:$0x3FB7]  }
0x39: {  	_ = 	snop;
	(pc) =	sbr.ind lr, $3  }
0x3a: {  	_ = 	snop  }
0x3b: {  	_ = 	snop  }
0x3c: {  	p2 =	seq.s32 s10, $0x1;
	s10 =	sld [smem:$0x3FB6]  }
0x3d: {  	_ =	shalt  }
0x3e: {  	_ =	shalt  }
0x3f: {  	_ =	shalt  }
0x40: {  	_ =	shalt  }
0x41: {  	_ =	shalt  }
0x42: {  	_ =	shalt  }
0x43: {  	_ =	shalt  }
0x44: {  	_ =	shalt  }
0x45: {  	_ =	shalt  }
0x46: {  	_ =	shalt  }
0x47: {  	_ =	shalt  }
0x48: {  	_ =	shalt  }
0x49: {  	_ =	shalt  }
0x4a: {  	_ =	shalt  }
0x4b: {  	_ =	shalt  }
0x4c: {  	_ =	shalt  }
0x4d: {  	_ =	shalt  }
0x4e: {  	_ =	shalt  }
0x4f: {  	_ =	shalt  }
0x50: {  	_ =	shalt  }
0x51: {  	_ =	shalt  }
0x52: {  	_ =	shalt  }
0x53: {  	_ =	shalt  }
0x54: {  	_ =	shalt  }
0x55: {  	_ =	shalt  }
0x56: {  	_ =	shalt  }
0x57: {  	_ =	shalt  }
0x58: {  	_ =	shalt  }
0x59: {  	_ =	shalt  }
0x5a: {  	_ =	shalt  }
0x5b: {  	_ =	shalt  }
0x5c: {  	_ =	shalt  }
0x5d: {  	_ =	shalt  }
0x5e: {  	_ =	shalt  }
0x5f: {  	_ =	shalt  }
0x60: {  	_ =	shalt  }
0x61: {  	_ =	shalt  }
0x62: {  	_ =	shalt  }
0x63: {  	_ =	shalt  }
0x64: {  	_ =	shalt  }
0x65: {  	_ =	shalt  }
0x66: {  	_ =	shalt  }
0x67: {  	_ =	shalt  }
0x68: {  	_ =	shalt  }
0x69: {  	_ =	shalt  }
0x6a: {  	_ =	shalt  }
0x6b: {  	_ =	shalt  }
0x6c: {  	_ =	shalt  }
0x6d: {  	_ =	shalt  }
0x6e: {  	_ =	shalt  }
0x6f: {  	_ =	shalt  }
0x70: {  	_ =	shalt  }
0x71: {  	_ =	shalt  }
0x72: {  	_ =	shalt  }
0x73: {  	_ =	shalt  }
0x74: {  	_ =	shalt  }
0x75: {  	_ =	shalt  }
0x76: {  	_ =	shalt  }
0x77: {  	_ =	shalt  }
0x78: {  	_ =	shalt  }
0x79: {  	_ =	shalt  }
0x7a: {  	_ =	shalt  }
0x7b: {  	_ =	shalt  }
0x7c: {  	_ =	shalt  }
0x7d: {  	_ =	shalt  }
0x7e: {  	_ =	shalt  }
0x7f: {  	_ =	shalt  }
0x80: {  	_ =	shalt  }
0x81: {  	_ =	shalt  }
0x82: {  	_ =	shalt  }
0x83: {  	_ =	shalt  }
0x84: {  	_ =	shalt  }
0x85: {  	_ =	shalt  }
0x86: {  	_ =	shalt  }
0x87: {  	_ =	shalt  }
.Lfunc_end0:
.L_simem_size_0:
called_computation_lowered:
.L_overlay_start_0:
0x88: {  	s2 =	sld [smem:$0x3FD9]  }
0x89: {  	s3 =	sld [smem:$0x3FFE];
	_ =	sdelay $0x1  }
0x8a: {  	s1 =	srdreg.scid  }
0x8b: {  	s0 =	sand.u32 $0x1, s1  }
0x8c: {  	s17 =	sshll.u32 s0, $0xA;
	s2 =	sadd.s32 s3, s2  }
0x8d: {  	s2 =	sadd.s32 s2, s17  }
0x8e: {  	[smem:$0x3FC2] =	sst s2  }
0x8f: {  	_ = 	snop  }
0x90: {  	s2 =	sld [smem:$0x3FC9]  }
0x91: {  	s18 =	sld [smem:$0x3FD0];
	(tm) =	ssettm $0x1  }
0x92: {  	s4 =	sld [smem:$0x3FFB];
	_ =	sdelay $0x3  }
0x93: {  	_ =	strace s4  }
0x94: {  	s4 =	sld [smem:$0x3FFC];
	_ =	sdelay $0x3  }
0x95: {  	_ =	strace s4  }
0x96: {  	s4 =	sld [smem:$0x3FFD];
	_ =	sdelay $0x3  }
0x97: {  	_ =	strace s4  }
0x98: {  	_ =	strace $0x8FFFFFFF  }
0x99: {  	s19 =	sld [smem:$0x3FDB];
	_ =	sdelay $0x1  }
0x9a: {  	s5 =	simm.s32 $_scs_section_size  }
0x9b: {  	s6 =	simm.s32 $_size__tile_overlayer_lowered;
	s7 =	simm.s32 $_tile_overlayer_lowered  }
0x9c: {  	s22 =	simm.s32 $0x1BFF;
	s21 =	sshll.u32 s7, $0x1;
	s4 =	sadd.s32 s5, s19  }
0x9d: {  	s8 =	simm.s32 $0x0;
	s20 =	sshll.u32 s6, $0x1;
	s6 =	sadd.s32 s21, s4  }
0x9e: {  	[timem:s8], [sflag:s22] =	dma.local [hbm:s6], s20  }
0x9f: {  	_ =	swait.ge [sflag:s22], s20  }
0xa0: {  	s5 =	ssub.s32 $0x0, s20;
	[sflag:s22] =	ssyncset.done $0x0  }
0xa1: {  	[sflag:s22] =	ssyncadd.s32 s5;
	_ =	sdelay $0x1  }
0xa2: {  	s23 =	simm.s32 $0x1B8B  }
0xa3: {  	_ =	swait.ge [sflag:s23], $0x1  }
0xa4: {  	[sflag:s23] =	ssyncset.done $0x0  }
0xa5: {  	s25 =	simm.s32 $0x1B8E;
	s24 =	sld [smem:$0x3FFE];
	[sflag:s23] =	ssyncadd.s32 $0xFFFFFFFF  }
0xa6: {  	s26 =	simm.s32 $execute0_lowered;
	[smem:$0x3FD2] =	sst s25  }
0xa7: {  	s6 =	sshll.u32 s26, $0x1;
	_ =	strace $0x80000046;
	[dreg:$0x1] =	wrdreg $0xFFFFFFFF  }
0xa8: {  	s28 =	simm.s32 $_size_execute0_lowered;
	s4 =	sadd.s32 s4, s6;
	[dreg:$0x0] =	wrdreg $0x0  }
0xa9: {  	s6 =	sshll.u32 s28, $0x1;
	[dreg:$0x2] =	wrdreg s4  }
0xaa: {  	[dreg:$0x3] =	wrdreg s6  }
0xab: {  	[dreg:$0x4] =	wrdreg $0xC0  }
0xac: {  	_ =	task [dreg:s8], $0x5FFFF  }
0xad: {  	[dreg:$0x1] =	wrdreg $0xFFFFFFFF  }
0xae: {  	[dreg:$0x0] =	wrdreg $0x60  }
0xaf: {  	[dreg:$0x2] =	wrdreg s2  }
0xb0: {  	[dreg:$0x3] =	wrdreg s18  }
0xb1: {  	[dreg:$0x4] =	wrdreg s24  }
0xb2: {  	[dreg:$0x5] =	wrdreg $0x9  }
0xb3: {  	_ =	task.clear_ibuf [dreg:s8], $0x6FFFF;
	_ =	strace $0x90000046  }
0xb4: {  	s29 =	simm.s32 $0x9;
	_ =	strace $0x80000048  }
0xb5: {  	_ =	swait.ge [sflag:s29], $0x1  }
0xb6: {  	[sflag:s29] =	ssyncadd.s32 $0xFFFFFFFF  }
0xb7: {  	_ =	strace $0x90000048  }
0xb8: {  	_ =	sfence  }
0xb9: {  	s30 =	sld [smem:$0x0];
	_ =	sdelay $0x2  }
0xba: {  	s31 =	sshll.u32 s1, $0xD;
	s1 =	sshrl.u32 s1, $0x2  }
0xbb: {  	s3 =	sand.u32 $0x4000, s31;
	s1 =	sadd.s32 s1, s30  }
0xbc: {  	s0 =	sor.u32 s3, s0;
	s1 =	sshll.u32 s1, $0x11  }
0xbd: {  	s0 =	sor.u32 s1, s0  }
0xbe: {  	s0 =	sadd.s32 $0x8F2B, s0  }
0xbf: {  	[sflag:s0] =	ssyncadd.remote.s32 $0x1  }
0xc0: {  	_ =	sfence.sel $0xFFFF  }
0xc1: {  	[dreg:$0x0] =	wrdreg $0xFFFFFFFF;
	(pc) =	sbr.abs _section_cstart, $3  }
0xc2: {  	[dreg:$0x1] =	wrdreg $0xFFFFFFFF  }
0xc3: {  	_ =	task.clear_ibuf [dreg:s8], $0x2FFFF;
	_ =	strace $0x9FFFFFFF  }
0xc4: {  	(tm) =	ssettm $0x7FFFFFFF  }
0xc5: {  	_ =	shalt  }
tec
execute0_lowered:
.L_overlay_start_1:
0x0: {  	(tag) =	ssettag $0x1  }
0x1: {  	s0 =	rddreg [dreg:$0x0]  }
0x2: {  	s1 =	rddreg [dreg:$0x1]  }
0x3: {  	s2 =	rddreg [dreg:$0x2]  }
0x4: {  	s3 =	simm.s32 $0x0;
	s4 =	srdreg.scid;
	s5 =	stileid.u32  }
0x5: {  	s13 =	simm.s32 $0x400;
	s14 =	simm.s32 $0x8400;
	s31 =	simm.s32 $0x2  }
0x6: {  	s23 =	simm.s32 $0x3;
	s12 =	simm.s32 $0xEC00;
	s15 =	simm.s32 $0xF400  }
0x7: {  	s16 =	simm.s32 $0xFC00;
	s28 =	simm.s32 $0x4400;
	s29 =	simm.s32 $0x4C00  }
0x8: {  	s30 =	simm.s32 $0x5400;
	[smem:$0x7FF] =	sst s3;
	s4 =	sand.u32 $0x1, s4  }
0x9: {  	s5 =	sshll.u32 s5, $0x1;
	s8 =	sadd.s32 $0x300, s2;
	s6 =	ssub.s32 $0x2, s4  }
0xa: {  	_ =	strace $0x80000047;
	s4 =	sor.u32 s4, s5;
	s25 =	sshrl.u32 s6, $0x1  }
0xb: {  	s7 =	sshll.u32 s4, $0x6;
	s4 =	sshll.u32 s4, $0xE;
	s9 =	ssub.s32 s6, s25  }
0xc: {  	v2 =	vlaneseq.u32;
	s1 =	sadd.s32 s1, s7;
	s5 =	sadd.s32 s0, s4;
	s6 =	sadd.s32 $0x100, s2  }
0xd: {  	vm0 =	vmmov $0xffff;
	v1 =	vshrl.u32 v2, $0x3;
	s7 =	sadd.s32 $0x200, s2;
	[dreg:$0x4] =	wrdreg s1;
	s26 =	smax.u32 s9, $0x1  }
0xe: {  	v0 =	vand.u32 $0x7, v2;
	v2 =	vor.u32 $0x8, v2;
	v1 =	vmul.u32 $0x8, v1;
	s0 =	simm.s32 $0x0;
	s9 =	simm.s32 $0xE400;
	[dreg:$0x5] =	wrdreg s26  }
.LBB2_1:
0xf: {  	s24 =	rddreg [dreg:$0x4];
	s25 =	simm.s32 $0x200;
	s26 =	simm.s32 $0x4000  }
0x10: {  	[tilespmem:s3], [sflag:$0x1] =	stream.strided.gather [hbm4b:s24+s25], $0x400, s26, s25, $0x38;
	[tilespmem:$0x10400] =	vst v63  }
0x11: {  	[dreg:$0x6] =	wrdreg s0;
	s26 =	simm.s32 $0x1  }
0x12: {  	_ =	swait.ge [sflag:s26], $0x400  }
0x13: {  	[sflag:s26] =	ssyncset.done $0x0  }
0x14: {  	p0 =	por $0x1, $0x1;
	s25 =	simm.s32 $0x0;
	[sflag:s26] =	ssyncadd.s32 $0xFFFFFC00  }
.LBB2_2:
0x15: {  	s24 =	sshll.u32 s25, $0xD  }
0x16: {  	s24 =	sadd.s32 s24, s5  }
0x17: {  	[tilespmem:s13], [sflag:$0x1] =	stream.linear.gather [hbm4b:s24+s3], $0x8000, $0x38;
	[tilespmem:$0x10400] =	vst v63  }
0x18: {  	s24 =	sshllo.u32 s25, $0x1  }
0x19: {  	s26 =	sshll.u32 s24, $0xC  }
0x1a: {  	s1 =	simm.s32 $0x1;
	s26 =	sadd.s32 s26, s5  }
0x1b: {  	[tilespmem:s14], [sflag:$0x2] =	stream.linear.gather [hbm4b:s26+s3], $0x8000, $0x38;
	[tilespmem:$0x10400] =	vst v63  }
0x1c: {  	_ =	swait.ge [sflag:s1], $0x8000  }
0x1d: {  	[sflag:s1] =	ssyncset.done $0x0  }
0x1e: {  	s25 =	sshll.u32 s25, $0x8;
	[sflag:s1] =	ssyncadd.s32 $0xFFFF8000  }
0x1f: {  	v3 =	vld [tilespmem:s25+$0x0];
	_ =	sdelay $0x4  }
0x20: {  	v4 =	vshll.u32 v3, $0x3  }
0x21: {  	v3 =	vand.u32 $0x7, v3;
	v4 =	vand.u32 $0xFFFFFFC0, v4  }
0x22: {  	v3 =	vor.u32 v3, v4  }
0x23: {  	v4 =	vperm.xlane v3, v0;
	_ =	sdelay $0x1  }
0x24: {  	v4 =	vadd.s32 v1, v4;
	_ =	sdelay $0x4  }
0x25: {  	[hbm4b:s2+s3] =	stream.indirect_vreg.scatter [tilespmem:s13], [sflag:$0x3], $0x80, v4, vm0, $0xb8;
	[tilespmem:$0x10400] =	vst v63  }
0x26: {  	s26 =	simm.s32 $0xC00;
	v3 =	vperm.xlane v3, v2  }
0x27: {  	[hbm4b:s6+s3] =	stream.indirect_vreg.scatter [tilespmem:s26], [sflag:$0x3], $0x80, v4, vm0, $0xb8;
	[tilespmem:$0x10400] =	vst v63  }
0x28: {  	s17 =	simm.s32 $0x1400;
	v3 =	vadd.s32 v1, v3  }
0x29: {  	[hbm4b:s7+s3] =	stream.indirect_vreg.scatter [tilespmem:s17], [sflag:$0x3], $0x80, v4, vm0, $0xb8;
	[tilespmem:$0x10400] =	vst v63  }
0x2a: {  	s18 =	simm.s32 $0x1C00  }
0x2b: {  	[hbm4b:s8+s3] =	stream.indirect_vreg.scatter [tilespmem:s18], [sflag:$0x3], $0x80, v4, vm0, $0xb8;
	[tilespmem:$0x10400] =	vst v63  }
0x2c: {  	s19 =	simm.s32 $0x2400  }
0x2d: {  	[hbm4b:s2+s3] =	stream.indirect_vreg.scatter [tilespmem:s19], [sflag:$0x3], $0x80, v3, vm0, $0xb8;
	[tilespmem:$0x10400] =	vst v63  }
0x2e: {  	s20 =	simm.s32 $0x2C00  }
0x2f: {  	[hbm4b:s6+s3] =	stream.indirect_vreg.scatter [tilespmem:s20], [sflag:$0x3], $0x80, v3, vm0, $0xb8;
	[tilespmem:$0x10400] =	vst v63  }
0x30: {  	s21 =	simm.s32 $0x3400  }
0x31: {  	[hbm4b:s7+s3] =	stream.indirect_vreg.scatter [tilespmem:s21], [sflag:$0x3], $0x80, v3, vm0, $0xb8;
	[tilespmem:$0x10400] =	vst v63  }
0x32: {  	s22 =	simm.s32 $0x3C00  }
0x33: {  	[hbm4b:s8+s3] =	stream.indirect_vreg.scatter [tilespmem:s22], [sflag:$0x3], $0x80, v3, vm0, $0xb8;
	[tilespmem:$0x10400] =	vst v63  }
0x34: {  	v3 =	vld [tilespmem:s25+$0x10];
	_ =	sdelay $0x4  }
0x35: {  	v57 =	vshll.u32 v3, $0x3  }
0x36: {  	v3 =	vand.u32 $0x7, v3;
	v4 =	vand.u32 $0xFFFFFFC0, v57  }
0x37: {  	v3 =	vor.u32 v3, v4  }
0x38: {  	v4 =	vperm.xlane v3, v0;
	_ =	sdelay $0x1  }
0x39: {  	v4 =	vadd.s32 v1, v4;
	_ =	sdelay $0x4  }
0x3a: {  	[hbm4b:s2+s3] =	stream.indirect_vreg.scatter [tilespmem:s28], [sflag:$0x3], $0x80, v4, vm0, $0xb8;
	[tilespmem:$0x10400] =	vst v63  }
0x3b: {  	v3 =	vperm.xlane v3, v2  }
0x3c: {  	[hbm4b:s6+s3] =	stream.indirect_vreg.scatter [tilespmem:s29], [sflag:$0x3], $0x80, v4, vm0, $0xb8;
	[tilespmem:$0x10400] =	vst v63  }
0x3d: {  	v3 =	vadd.s32 v1, v3  }
0x3e: {  	[hbm4b:s7+s3] =	stream.indirect_vreg.scatter [tilespmem:s30], [sflag:$0x3], $0x80, v4, vm0, $0xb8;
	[tilespmem:$0x10400] =	vst v63  }
0x3f: {  	s0 =	simm.s32 $0x5C00  }
0x40: {  	[hbm4b:s8+s3] =	stream.indirect_vreg.scatter [tilespmem:s0], [sflag:$0x3], $0x80, v4, vm0, $0xb8;
	[tilespmem:$0x10400] =	vst v63  }
0x41: {  	s1 =	simm.s32 $0x6400  }
0x42: {  	[hbm4b:s2+s3] =	stream.indirect_vreg.scatter [tilespmem:s1], [sflag:$0x3], $0x80, v3, vm0, $0xb8;
	[tilespmem:$0x10400] =	vst v63  }
0x43: {  	s10 =	simm.s32 $0x6C00  }
0x44: {  	[hbm4b:s6+s3] =	stream.indirect_vreg.scatter [tilespmem:s10], [sflag:$0x3], $0x80, v3, vm0, $0xb8;
	[tilespmem:$0x10400] =	vst v63  }
0x45: {  	s11 =	simm.s32 $0x7400  }
0x46: {  	[hbm4b:s7+s3] =	stream.indirect_vreg.scatter [tilespmem:s11], [sflag:$0x3], $0x80, v3, vm0, $0xb8;
	[tilespmem:$0x10400] =	vst v63  }
0x47: {  	s4 =	simm.s32 $0x7C00  }
0x48: {  	[hbm4b:s8+s3] =	stream.indirect_vreg.scatter [tilespmem:s4], [sflag:$0x3], $0x80, v3, vm0, $0xb8;
	[tilespmem:$0x10400] =	vst v63  }
0x49: {  	v3 =	vld [tilespmem:s25+$0x200];
	_ =	sdelay $0x4  }
0x4a: {  	v58 =	vshll.u32 v3, $0x3  }
0x4b: {  	v3 =	vand.u32 $0x7, v3;
	v4 =	vand.u32 $0xFFFFFFC0, v58  }
0x4c: {  	v3 =	vor.u32 v3, v4  }
0x4d: {  	v4 =	vperm.xlane v3, v0;
	_ =	sdelay $0x1  }
0x4e: {  	v4 =	vadd.s32 v1, v4;
	_ =	sdelay $0x4  }
0x4f: {  	[hbm4b:s2+s3] =	stream.indirect_vreg.scatter [tilespmem:s13], [sflag:$0x3], $0x80, v4, vm0, $0xb8;
	[tilespmem:$0x10400] =	vst v63  }
0x50: {  	v3 =	vperm.xlane v3, v2  }
0x51: {  	[hbm4b:s6+s3] =	stream.indirect_vreg.scatter [tilespmem:s26], [sflag:$0x3], $0x80, v4, vm0, $0xb8;
	[tilespmem:$0x10400] =	vst v63  }
0x52: {  	v3 =	vadd.s32 v1, v3  }
0x53: {  	[hbm4b:s7+s3] =	stream.indirect_vreg.scatter [tilespmem:s17], [sflag:$0x3], $0x80, v4, vm0, $0xb8;
	[tilespmem:$0x10400] =	vst v63  }
0x54: {  	_ = 	snop  }
0x55: {  	[hbm4b:s8+s3] =	stream.indirect_vreg.scatter [tilespmem:s18], [sflag:$0x3], $0x80, v4, vm0, $0xb8;
	[tilespmem:$0x10400] =	vst v63  }
0x56: {  	_ = 	snop  }
0x57: {  	[hbm4b:s2+s3] =	stream.indirect_vreg.scatter [tilespmem:s19], [sflag:$0x3], $0x80, v3, vm0, $0xb8;
	[tilespmem:$0x10400] =	vst v63  }
0x58: {  	_ = 	snop  }
0x59: {  	[hbm4b:s6+s3] =	stream.indirect_vreg.scatter [tilespmem:s20], [sflag:$0x3], $0x80, v3, vm0, $0xb8;
	[tilespmem:$0x10400] =	vst v63  }
0x5a: {  	_ = 	snop  }
0x5b: {  	[hbm4b:s7+s3] =	stream.indirect_vreg.scatter [tilespmem:s21], [sflag:$0x3], $0x80, v3, vm0, $0xb8;
	[tilespmem:$0x10400] =	vst v63  }
0x5c: {  	_ = 	snop  }
0x5d: {  	[hbm4b:s8+s3] =	stream.indirect_vreg.scatter [tilespmem:s22], [sflag:$0x3], $0x80, v3, vm0, $0xb8;
	[tilespmem:$0x10400] =	vst v63  }
0x5e: {  	v3 =	vld [tilespmem:s25+$0x210];
	_ =	sdelay $0x4  }
0x5f: {  	v59 =	vshll.u32 v3, $0x3  }
0x60: {  	v3 =	vand.u32 $0x7, v3;
	v4 =	vand.u32 $0xFFFFFFC0, v59  }
0x61: {  	v3 =	vor.u32 v3, v4  }
0x62: {  	v4 =	vperm.xlane v3, v0;
	_ =	sdelay $0x1  }
0x63: {  	v4 =	vadd.s32 v1, v4;
	_ =	sdelay $0x4  }
0x64: {  	[hbm4b:s2+s3] =	stream.indirect_vreg.scatter [tilespmem:s28], [sflag:$0x3], $0x80, v4, vm0, $0xb8;
	[tilespmem:$0x10400] =	vst v63  }
0x65: {  	v3 =	vperm.xlane v3, v2  }
0x66: {  	[hbm4b:s6+s3] =	stream.indirect_vreg.scatter [tilespmem:s29], [sflag:$0x3], $0x80, v4, vm0, $0xb8;
	[tilespmem:$0x10400] =	vst v63  }
0x67: {  	v3 =	vadd.s32 v1, v3  }
0x68: {  	[hbm4b:s7+s3] =	stream.indirect_vreg.scatter [tilespmem:s30], [sflag:$0x3], $0x80, v4, vm0, $0xb8;
	[tilespmem:$0x10400] =	vst v63  }
0x69: {  	_ = 	snop  }
0x6a: {  	[hbm4b:s8+s3] =	stream.indirect_vreg.scatter [tilespmem:s0], [sflag:$0x3], $0x80, v4, vm0, $0xb8;
	[tilespmem:$0x10400] =	vst v63  }
0x6b: {  	_ = 	snop  }
0x6c: {  	[hbm4b:s2+s3] =	stream.indirect_vreg.scatter [tilespmem:s1], [sflag:$0x3], $0x80, v3, vm0, $0xb8;
	[tilespmem:$0x10400] =	vst v63  }
0x6d: {  	_ = 	snop  }
0x6e: {  	[hbm4b:s6+s3] =	stream.indirect_vreg.scatter [tilespmem:s10], [sflag:$0x3], $0x80, v3, vm0, $0xb8;
	[tilespmem:$0x10400] =	vst v63  }
0x6f: {  	_ = 	snop  }
0x70: {  	[hbm4b:s7+s3] =	stream.indirect_vreg.scatter [tilespmem:s11], [sflag:$0x3], $0x80, v3, vm0, $0xb8;
	[tilespmem:$0x10400] =	vst v63  }
0x71: {  	_ = 	snop  }
0x72: {  	[hbm4b:s8+s3] =	stream.indirect_vreg.scatter [tilespmem:s4], [sflag:$0x3], $0x80, v3, vm0, $0xb8;
	[tilespmem:$0x10400] =	vst v63  }
0x73: {  	_ =	swait.ge [sflag:s31], $0x8000  }
0x74: {  	[sflag:s31] =	ssyncset.done $0x0  }
0x75: {  	s24 =	sshll.u32 s24, $0x7;
	[sflag:s31] =	ssyncadd.s32 $0xFFFF8000  }
0x76: {  	v3 =	vld [tilespmem:s24+$0x0];
	_ =	sdelay $0x4  }
0x77: {  	v60 =	vshll.u32 v3, $0x3  }
0x78: {  	v3 =	vand.u32 $0x7, v3;
	v4 =	vand.u32 $0xFFFFFFC0, v60  }
0x79: {  	v3 =	vor.u32 v3, v4  }
0x7a: {  	v4 =	vperm.xlane v3, v0;
	_ =	sdelay $0x1  }
0x7b: {  	v4 =	vadd.s32 v1, v4;
	_ =	sdelay $0x4  }
0x7c: {  	[hbm4b:s2+s3] =	stream.indirect_vreg.scatter [tilespmem:s14], [sflag:$0x3], $0x80, v4, vm0, $0xb8;
	[tilespmem:$0x10400] =	vst v63  }
0x7d: {  	s4 =	simm.s32 $0x8C00;
	v3 =	vperm.xlane v3, v2  }
0x7e: {  	[hbm4b:s6+s3] =	stream.indirect_vreg.scatter [tilespmem:s4], [sflag:$0x3], $0x80, v4, vm0, $0xb8;
	[tilespmem:$0x10400] =	vst v63  }
0x7f: {  	s10 =	simm.s32 $0x9400;
	v3 =	vadd.s32 v1, v3  }
0x80: {  	[hbm4b:s7+s3] =	stream.indirect_vreg.scatter [tilespmem:s10], [sflag:$0x3], $0x80, v4, vm0, $0xb8;
	[tilespmem:$0x10400] =	vst v63  }
0x81: {  	s11 =	simm.s32 $0x9C00  }
0x82: {  	[hbm4b:s8+s3] =	stream.indirect_vreg.scatter [tilespmem:s11], [sflag:$0x3], $0x80, v4, vm0, $0xb8;
	[tilespmem:$0x10400] =	vst v63  }
0x83: {  	s17 =	simm.s32 $0xA400  }
0x84: {  	[hbm4b:s2+s3] =	stream.indirect_vreg.scatter [tilespmem:s17], [sflag:$0x3], $0x80, v3, vm0, $0xb8;
	[tilespmem:$0x10400] =	vst v63  }
0x85: {  	s18 =	simm.s32 $0xAC00  }
0x86: {  	[hbm4b:s6+s3] =	stream.indirect_vreg.scatter [tilespmem:s18], [sflag:$0x3], $0x80, v3, vm0, $0xb8;
	[tilespmem:$0x10400] =	vst v63  }
0x87: {  	s19 =	simm.s32 $0xB400  }
0x88: {  	[hbm4b:s7+s3] =	stream.indirect_vreg.scatter [tilespmem:s19], [sflag:$0x3], $0x80, v3, vm0, $0xb8;
	[tilespmem:$0x10400] =	vst v63  }
0x89: {  	s20 =	simm.s32 $0xBC00  }
0x8a: {  	[hbm4b:s8+s3] =	stream.indirect_vreg.scatter [tilespmem:s20], [sflag:$0x3], $0x80, v3, vm0, $0xb8;
	[tilespmem:$0x10400] =	vst v63  }
0x8b: {  	v3 =	vld [tilespmem:s24+$0x10];
	_ =	sdelay $0x4  }
0x8c: {  	v61 =	vshll.u32 v3, $0x3  }
0x8d: {  	v3 =	vand.u32 $0x7, v3;
	v4 =	vand.u32 $0xFFFFFFC0, v61  }
0x8e: {  	v3 =	vor.u32 v3, v4  }
0x8f: {  	v4 =	vperm.xlane v3, v0;
	_ =	sdelay $0x1  }
0x90: {  	v4 =	vadd.s32 v1, v4;
	_ =	sdelay $0x3  }
0x91: {  	s21 =	simm.s32 $0xC400  }
0x92: {  	[hbm4b:s2+s3] =	stream.indirect_vreg.scatter [tilespmem:s21], [sflag:$0x3], $0x80, v4, vm0, $0xb8;
	[tilespmem:$0x10400] =	vst v63  }
0x93: {  	s22 =	simm.s32 $0xCC00;
	v3 =	vperm.xlane v3, v2  }
0x94: {  	[hbm4b:s6+s3] =	stream.indirect_vreg.scatter [tilespmem:s22], [sflag:$0x3], $0x80, v4, vm0, $0xb8;
	[tilespmem:$0x10400] =	vst v63  }
0x95: {  	s25 =	simm.s32 $0xD400;
	v3 =	vadd.s32 v1, v3  }
0x96: {  	[hbm4b:s7+s3] =	stream.indirect_vreg.scatter [tilespmem:s25], [sflag:$0x3], $0x80, v4, vm0, $0xb8;
	[tilespmem:$0x10400] =	vst v63  }
0x97: {  	s26 =	simm.s32 $0xDC00  }
0x98: {  	[hbm4b:s8+s3] =	stream.indirect_vreg.scatter [tilespmem:s26], [sflag:$0x3], $0x80, v4, vm0, $0xb8;
	[tilespmem:$0x10400] =	vst v63  }
0x99: {  	_ = 	snop  }
0x9a: {  	[hbm4b:s2+s3] =	stream.indirect_vreg.scatter [tilespmem:s9], [sflag:$0x3], $0x80, v3, vm0, $0xb8;
	[tilespmem:$0x10400] =	vst v63  }
0x9b: {  	_ = 	snop  }
0x9c: {  	[hbm4b:s6+s3] =	stream.indirect_vreg.scatter [tilespmem:s12], [sflag:$0x3], $0x80, v3, vm0, $0xb8;
	[tilespmem:$0x10400] =	vst v63  }
0x9d: {  	_ = 	snop  }
0x9e: {  	[hbm4b:s7+s3] =	stream.indirect_vreg.scatter [tilespmem:s15], [sflag:$0x3], $0x80, v3, vm0, $0xb8;
	[tilespmem:$0x10400] =	vst v63  }
0x9f: {  	_ = 	snop  }
0xa0: {  	[hbm4b:s8+s3] =	stream.indirect_vreg.scatter [tilespmem:s16], [sflag:$0x3], $0x80, v3, vm0, $0xb8;
	[tilespmem:$0x10400] =	vst v63  }
0xa1: {  	v3 =	vld [tilespmem:s24+$0x200];
	_ =	sdelay $0x4  }
0xa2: {  	v62 =	vshll.u32 v3, $0x3  }
0xa3: {  	v3 =	vand.u32 $0x7, v3;
	v4 =	vand.u32 $0xFFFFFFC0, v62  }
0xa4: {  	v3 =	vor.u32 v3, v4  }
0xa5: {  	v4 =	vperm.xlane v3, v0;
	_ =	sdelay $0x1  }
0xa6: {  	v4 =	vadd.s32 v1, v4;
	_ =	sdelay $0x4  }
0xa7: {  	[hbm4b:s2+s3] =	stream.indirect_vreg.scatter [tilespmem:s14], [sflag:$0x3], $0x80, v4, vm0, $0xb8;
	[tilespmem:$0x10400] =	vst v63  }
0xa8: {  	v3 =	vperm.xlane v3, v2  }
0xa9: {  	[hbm4b:s6+s3] =	stream.indirect_vreg.scatter [tilespmem:s4], [sflag:$0x3], $0x80, v4, vm0, $0xb8;
	[tilespmem:$0x10400] =	vst v63  }
0xaa: {  	v3 =	vadd.s32 v1, v3  }
0xab: {  	[hbm4b:s7+s3] =	stream.indirect_vreg.scatter [tilespmem:s10], [sflag:$0x3], $0x80, v4, vm0, $0xb8;
	[tilespmem:$0x10400] =	vst v63  }
0xac: {  	_ = 	snop  }
0xad: {  	[hbm4b:s8+s3] =	stream.indirect_vreg.scatter [tilespmem:s11], [sflag:$0x3], $0x80, v4, vm0, $0xb8;
	[tilespmem:$0x10400] =	vst v63  }
0xae: {  	_ = 	snop  }
0xaf: {  	[hbm4b:s2+s3] =	stream.indirect_vreg.scatter [tilespmem:s17], [sflag:$0x3], $0x80, v3, vm0, $0xb8;
	[tilespmem:$0x10400] =	vst v63  }
0xb0: {  	_ = 	snop  }
0xb1: {  	[hbm4b:s6+s3] =	stream.indirect_vreg.scatter [tilespmem:s18], [sflag:$0x3], $0x80, v3, vm0, $0xb8;
	[tilespmem:$0x10400] =	vst v63  }
0xb2: {  	_ = 	snop  }
0xb3: {  	[hbm4b:s7+s3] =	stream.indirect_vreg.scatter [tilespmem:s19], [sflag:$0x3], $0x80, v3, vm0, $0xb8;
	[tilespmem:$0x10400] =	vst v63  }
0xb4: {  	_ = 	snop  }
0xb5: {  	[hbm4b:s8+s3] =	stream.indirect_vreg.scatter [tilespmem:s20], [sflag:$0x3], $0x80, v3, vm0, $0xb8;
	[tilespmem:$0x10400] =	vst v63  }
0xb6: {  	v3 =	vld [tilespmem:s24+$0x210];
	_ =	sdelay $0x4  }
0xb7: {  	v63 =	vshll.u32 v3, $0x3  }
0xb8: {  	v3 =	vand.u32 $0x7, v3;
	v4 =	vand.u32 $0xFFFFFFC0, v63  }
0xb9: {  	v3 =	vor.u32 v3, v4  }
0xba: {  	v4 =	vperm.xlane v3, v0;
	_ =	sdelay $0x1  }
0xbb: {  	v4 =	vadd.s32 v1, v4;
	_ =	sdelay $0x4  }
0xbc: {  	[hbm4b:s2+s3] =	stream.indirect_vreg.scatter [tilespmem:s21], [sflag:$0x3], $0x80, v4, vm0, $0xb8;
	[tilespmem:$0x10400] =	vst v63  }
0xbd: {  	v3 =	vperm.xlane v3, v2  }
0xbe: {  	[hbm4b:s6+s3] =	stream.indirect_vreg.scatter [tilespmem:s22], [sflag:$0x3], $0x80, v4, vm0, $0xb8;
	[tilespmem:$0x10400] =	vst v63  }
0xbf: {  	v3 =	vadd.s32 v1, v3  }
0xc0: {  	[hbm4b:s7+s3] =	stream.indirect_vreg.scatter [tilespmem:s25], [sflag:$0x3], $0x80, v4, vm0, $0xb8;
	[tilespmem:$0x10400] =	vst v63  }
0xc1: {  	_ = 	snop  }
0xc2: {  	[hbm4b:s8+s3] =	stream.indirect_vreg.scatter [tilespmem:s26], [sflag:$0x3], $0x80, v4, vm0, $0xb8;
	[tilespmem:$0x10400] =	vst v63  }
0xc3: {  	_ = 	snop  }
0xc4: {  	[hbm4b:s2+s3] =	stream.indirect_vreg.scatter [tilespmem:s9], [sflag:$0x3], $0x80, v3, vm0, $0xb8;
	[tilespmem:$0x10400] =	vst v63  }
0xc5: {  	_ = 	snop  }
0xc6: {  	[hbm4b:s6+s3] =	stream.indirect_vreg.scatter [tilespmem:s12], [sflag:$0x3], $0x80, v3, vm0, $0xb8;
	[tilespmem:$0x10400] =	vst v63  }
0xc7: {  	_ = 	snop  }
0xc8: {  	[hbm4b:s7+s3] =	stream.indirect_vreg.scatter [tilespmem:s15], [sflag:$0x3], $0x80, v3, vm0, $0xb8;
	[tilespmem:$0x10400] =	vst v63  }
0xc9: {  	_ = 	snop  }
0xca: {  	[hbm4b:s8+s3] =	stream.indirect_vreg.scatter [tilespmem:s16], [sflag:$0x3], $0x80, v3, vm0, $0xb8;
	[tilespmem:$0x10400] =	vst v63  }
0xcb: {  	_ =	swait.ge [sflag:s23], $0x8000  }
0xcc: {  	[sflag:s23] =	ssyncset.done $0x0  }
0xcd: {  	[sflag:s23] =	ssyncadd.s32 $0xFFFF8000  }
0xce: {  	_ =	swait.ge [sflag:s23], $0x8000  }
0xcf: {  	[sflag:s23] =	ssyncset.done $0x0  }
0xd0: {  	[sflag:s23] =	ssyncadd.s32 $0xFFFF8000  }
0xd1: {  	p1 =	por p0, p0;
	_ =	swait.ge [sflag:s23], $0x8000  }
.Ltmp0:
0xd2: {  	[sflag:s23] =	ssyncset.done $0x0;
	(pc) =	sbr.rel @p1 .LBB2_2-.Ltmp0, $4  }
0xd3: {  	[sflag:s23] =	ssyncadd.s32 $0xFFFF8000  }
0xd4: {  	_ =	swait.ge [sflag:s23], $0x8000  }
0xd5: {  	[sflag:s23] =	ssyncset.done $0x0  }
0xd6: {  	p0 =	por $0x0, $0x0;
	s25 =	simm.s32 $0x1;
	[sflag:s23] =	ssyncadd.s32 $0xFFFF8000  }
0xd7: {  	s0 =	rddreg [dreg:$0x6]  }
0xd8: {  	s24 =	rddreg [dreg:$0x5];
	s0 =	sadd.s32 $0x1, s0  }
0xd9: {  	p0 =	sne.s32 s0, s24  }
.Ltmp1:
0xda: {  	_ = 	snop;
	(pc) =	sbr.rel @p0 .LBB2_1-.Ltmp1, $1  }
0xdb: {  	_ =	sdelay $0x3  }
0xdc: {  	_ =	sfence.sel $0x180000  }
0xdd: {  	[bflag:$0x0] =	sbarrier.arrive $0xFFFF  }
0xde: {  	_ =	strace $0x90000047  }
0xdf: {  	s0 =	stileid.u32;
	[bflag:$0x2] =	sbarrier.arrive $0xFFFF  }
0xe0: {  	p0 =	sne.s32 s0, $0x0;
	s0 =	rddreg [dreg:$0x3]  }
0xe1: {  	s0 =	sadd.s32 @!p0 $0x100000, s0  }
0xe2: {  	[sflag:s0] =	ssyncadd.tile.s32 @!p0 $0x1;
	_ =	shalt  }
.Lfunc_end2:
_tile_overlayer_lowered:
.L_overlay_start_2:
0xe3: {  	(tag) =	ssettag $0x2  }
0xe4: {  	s0 =	rddreg [dreg:$0x0];
	s2 =	stileid.u32  }
0xe5: {  	s1 =	rddreg [dreg:$0x1];
	p0 =	sne.s32 s2, $0x0  }
0xe6: {  	s3 =	rddreg [dreg:$0x2];
	[bflag:$0x3] =	sbarrier.arrive $0xFFFF;
	s2 =	simm.s32 @!p0 $0x1C04  }
0xe7: {  	[timem:s3], [sflag:s2] =	dma.local @!p0 [hbm:s0], s1  }
0xe8: {  	s0 =	simm.s32 @!p0 $0x4  }
0xe9: {  	_ =	swait.ge @!p0 [sflag:s0], s1  }
0xea: {  	s1 =	ssub.s32 @!p0 $0x0, s1;
	[sflag:s0] =	ssyncset.done @!p0 $0x0  }
0xeb: {  	[sflag:s0] =	ssyncadd.s32 @!p0 s1  }
0xec: {  	[bflag:$0x3] =	sbarrier.arrive $0xFFFF  }
0xed: {  	_ =	shalt  }

// kernel: kernel.9.cloned.1.call-start
scs
__scs_entry_jumppad:
0x0: {  	(pc) =	sbr.rel $0x88, $3  }
0x1: {  	(tag) =	ssettag $0x0;
	lr =	simm.s32 $0x1  }
0x2: {  	[smem:$0x3F9B] =	sst lr;
	_ =	strace $0xD0000000  }
0x3: {  	_ = 	snop  }
0x4: {  	_ = 	snop  }
0x5: {  	_ = 	snop  }
0x6: {  	_ = 	snop  }
0x7: {  	_ = 	snop  }
__scs_overlays_trampoline_lowered:
0x8: {  	[smem:$0x3FAA] =	sst s0  }
0x9: {  	[smem:$0x3FAB] =	sst s1  }
0xa: {  	[smem:$0x3FAC] =	sst s2  }
0xb: {  	[smem:$0x3FAD] =	sst s3  }
0xc: {  	[smem:$0x3FAE] =	sst s4  }
0xd: {  	[smem:$0x3FAF] =	sst s5  }
0xe: {  	[smem:$0x3FB0] =	sst s6  }
0xf: {  	[smem:$0x3FB1] =	sst s7  }
0x10: {  	[smem:$0x3FB2] =	sst s8  }
0x11: {  	[smem:$0x3FB3] =	sst s9;
	s0 =	simm.s32 @!p0 $0x0  }
0x12: {  	s1 =	sld [smem:$0x3F99];
	s0 =	simm.s32 @p0 $0x1  }
0x13: {  	[smem:$0x3FB4] =	sst s0;
	s0 =	simm.s32 @!p1 $0x0  }
0x14: {  	s2 =	sld [smem:$0x3F98];
	s0 =	simm.s32 @p1 $0x1  }
0x15: {  	[smem:$0x3FB5] =	sst s0;
	s0 =	simm.s32 @!p2 $0x0  }
0x16: {  	s3 =	sld [smem:$0x3FDB];
	s0 =	simm.s32 @p2 $0x1  }
0x17: {  	s4 =	simm.s32 $0x1BF5;
	[smem:$0x3FB7] =	sst s0  }
0x18: {  	s0 =	sld [smem:$0x3F9A];
	_ =	swait.ge [sflag:s4], $0x0  }
0x19: {  	s7 =	sld [smem:$0x3F9B]  }
0x1a: {  	s8 =	sadd.s32 $0xFFFFE003, lr  }
0x1b: {  	s9 =	sadd.s32 $0xFFFFFEF7, lr;
	s5 =	simm.s32 $0xFFFFFFFF;
	p2 =	slt.u32 s8, $0xFFFFF086  }
0x1c: {  	p1 =	slt.u32 s9, $0xF7A;
	s5 =	simm.s32 @!p2 $0x0  }
0x1d: {  	s5 =	simm.s32 @p1 $0x1;
	p0 =	seq.s32 s7, s2  }
0x1e: {  	s7 =	smul.u32 @!p0 $0xF7A, s2;
	p2 =	seq.s32 @!p0 s5, $0x0  }
0x1f: {  	s9 =	smul.u32 $0xF7A, s1;
	s8 =	simm.s32 @!p0 $0x1BF5;
	p2 =	por !p2, p0  }
0x20: {  	[sflag:s8] =	ssyncset.s32 @!p0 $0xFFFFF086;
	s6 =	sadd.s32 @!p0 s3, s7;
	s7 =	simm.s32 @!p0 $0x108  }
0x21: {  	s3 =	sadd.s32 s3, s9;
	s6 =	sadd.s32 @!p0 $0x88, s6;
	s7 =	simm.s32 @p2 $0x1082  }
0x22: {  	[simem:s7], [sflag:s8] =	dma.local @!p0 [hbm:s6], $0xF7A  }
0x23: {  	s9 =	sor.u32 $0xD0000000, s2;
	s6 =	simm.s32 $0x108;
	_ =	swait.ge @!p0 [sflag:s8], $0x0  }
0x24: {  	s3 =	sadd.s32 $0x88, s3;
	s6 =	simm.s32 @!p1 $0x1082;
	[sflag:s4] =	ssyncset.s32 $0xFFFFF086  }
0x25: {  	[simem:s6], [sflag:s4] =	dma.local [hbm:s3], $0xF7A  }
0x26: {  	[smem:$0x3F9B] =	sst s1;
	(tag) =	ssettag s2;
	_ =	strace s9  }
0x27: {  	s1 =	sld [smem:$0x3FAB]  }
0x28: {  	s2 =	sld [smem:$0x3FAC]  }
0x29: {  	s4 =	sld [smem:$0x3FAE]  }
0x2a: {  	p0 =	seq.s32 s5, $0x0;
	s5 =	sld [smem:$0x3FAF]  }
0x2b: {  	s6 =	sld [smem:$0x3FB0]  }
0x2c: {  	s7 =	sld [smem:$0x3FB1]  }
0x2d: {  	s3 =	simm.s32 $0x108;
	s8 =	sld [smem:$0x3FB2]  }
0x2e: {  	s3 =	simm.s32 @!p0 $0x1082;
	s9 =	sld [smem:$0x3FB3]  }
0x2f: {  	lr =	sadd.s32 s0, s3;
	s0 =	sld [smem:$0x3FAA]  }
0x30: {  	s3 =	sld [smem:$0x3FAD]  }
0x31: {  	[smem:$0x3FB6] =	sst s10  }
0x32: {  	s10 =	sld [smem:$0x3FB4];
	_ =	sdelay $0x3  }
0x33: {  	p0 =	seq.s32 s10, $0x1;
	s10 =	sld [smem:$0x3FB6];
	_ =	sdelay $0x3  }
0x34: {  	[smem:$0x3FB6] =	sst s10  }
0x35: {  	s10 =	sld [smem:$0x3FB5];
	_ =	sdelay $0x3  }
0x36: {  	p1 =	seq.s32 s10, $0x1;
	s10 =	sld [smem:$0x3FB6];
	_ =	sdelay $0x3  }
0x37: {  	[smem:$0x3FB6] =	sst s10  }
0x38: {  	s10 =	sld [smem:$0x3FB7]  }
0x39: {  	_ = 	snop;
	(pc) =	sbr.ind lr, $3  }
0x3a: {  	_ = 	snop  }
0x3b: {  	_ = 	snop  }
0x3c: {  	p2 =	seq.s32 s10, $0x1;
	s10 =	sld [smem:$0x3FB6]  }
0x3d: {  	_ =	shalt  }
0x3e: {  	_ =	shalt  }
0x3f: {  	_ =	shalt  }
0x40: {  	_ =	shalt  }
0x41: {  	_ =	shalt  }
0x42: {  	_ =	shalt  }
0x43: {  	_ =	shalt  }
0x44: {  	_ =	shalt  }
0x45: {  	_ =	shalt  }
0x46: {  	_ =	shalt  }
0x47: {  	_ =	shalt  }
0x48: {  	_ =	shalt  }
0x49: {  	_ =	shalt  }
0x4a: {  	_ =	shalt  }
0x4b: {  	_ =	shalt  }
0x4c: {  	_ =	shalt  }
0x4d: {  	_ =	shalt  }
0x4e: {  	_ =	shalt  }
0x4f: {  	_ =	shalt  }
0x50: {  	_ =	shalt  }
0x51: {  	_ =	shalt  }
0x52: {  	_ =	shalt  }
0x53: {  	_ =	shalt  }
0x54: {  	_ =	shalt  }
0x55: {  	_ =	shalt  }
0x56: {  	_ =	shalt  }
0x57: {  	_ =	shalt  }
0x58: {  	_ =	shalt  }
0x59: {  	_ =	shalt  }
0x5a: {  	_ =	shalt  }
0x5b: {  	_ =	shalt  }
0x5c: {  	_ =	shalt  }
0x5d: {  	_ =	shalt  }
0x5e: {  	_ =	shalt  }
0x5f: {  	_ =	shalt  }
0x60: {  	_ =	shalt  }
0x61: {  	_ =	shalt  }
0x62: {  	_ =	shalt  }
0x63: {  	_ =	shalt  }
0x64: {  	_ =	shalt  }
0x65: {  	_ =	shalt  }
0x66: {  	_ =	shalt  }
0x67: {  	_ =	shalt  }
0x68: {  	_ =	shalt  }
0x69: {  	_ =	shalt  }
0x6a: {  	_ =	shalt  }
0x6b: {  	_ =	shalt  }
0x6c: {  	_ =	shalt  }
0x6d: {  	_ =	shalt  }
0x6e: {  	_ =	shalt  }
0x6f: {  	_ =	shalt  }
0x70: {  	_ =	shalt  }
0x71: {  	_ =	shalt  }
0x72: {  	_ =	shalt  }
0x73: {  	_ =	shalt  }
0x74: {  	_ =	shalt  }
0x75: {  	_ =	shalt  }
0x76: {  	_ =	shalt  }
0x77: {  	_ =	shalt  }
0x78: {  	_ =	shalt  }
0x79: {  	_ =	shalt  }
0x7a: {  	_ =	shalt  }
0x7b: {  	_ =	shalt  }
0x7c: {  	_ =	shalt  }
0x7d: {  	_ =	shalt  }
0x7e: {  	_ =	shalt  }
0x7f: {  	_ =	shalt  }
0x80: {  	_ =	shalt  }
0x81: {  	_ =	shalt  }
0x82: {  	_ =	shalt  }
0x83: {  	_ =	shalt  }
0x84: {  	_ =	shalt  }
0x85: {  	_ =	shalt  }
0x86: {  	_ =	shalt  }
0x87: {  	_ =	shalt  }
.Lfunc_end0:
.L_simem_size_0:
called_computation.1_lowered:
.L_overlay_start_0:
0x88: {  	s2 =	sld [smem:$0x3FD9]  }
0x89: {  	s3 =	sld [smem:$0x3FFE];
	_ =	sdelay $0x1  }
0x8a: {  	s1 =	srdreg.scid  }
0x8b: {  	s0 =	sand.u32 $0x1, s1  }
0x8c: {  	s16 =	sshll.u32 s0, $0xA;
	s2 =	sadd.s32 s3, s2  }
0x8d: {  	s2 =	sadd.s32 s2, s16  }
0x8e: {  	[smem:$0x3FC2] =	sst s2  }
0x8f: {  	_ = 	snop  }
0x90: {  	(tm) =	ssettm $0x1  }
0x91: {  	s17 =	sld [smem:$0x3FFB];
	_ =	sdelay $0x3  }
0x92: {  	_ =	strace s17  }
0x93: {  	s2 =	sld [smem:$0x3FFC];
	_ =	sdelay $0x3  }
0x94: {  	_ =	strace s2  }
0x95: {  	s2 =	sld [smem:$0x3FFD];
	_ =	sdelay $0x3  }
0x96: {  	_ =	strace s2  }
0x97: {  	_ =	strace $0x8FFFFFFF  }
0x98: {  	s18 =	sld [smem:$0x3FDB];
	_ =	sdelay $0x1  }
0x99: {  	s19 =	simm.s32 $_scs_section_size  }
0x9a: {  	s4 =	simm.s32 $_size__tile_overlayer_lowered;
	s5 =	simm.s32 $_tile_overlayer_lowered  }
0x9b: {  	s22 =	simm.s32 $0x1BFF;
	s21 =	sshll.u32 s5, $0x1;
	s2 =	sadd.s32 s19, s18  }
0x9c: {  	s6 =	simm.s32 $0x0;
	s20 =	sshll.u32 s4, $0x1;
	s4 =	sadd.s32 s21, s2  }
0x9d: {  	[timem:s6], [sflag:s22] =	dma.local [hbm:s4], s20  }
0x9e: {  	_ =	swait.ge [sflag:s22], s20  }
0x9f: {  	s3 =	ssub.s32 $0x0, s20;
	[sflag:s22] =	ssyncset.done $0x0  }
0xa0: {  	[sflag:s22] =	ssyncadd.s32 s3;
	_ =	sdelay $0x1  }
0xa1: {  	s23 =	simm.s32 $0x1B8B  }
0xa2: {  	_ =	swait.ge [sflag:s23], $0x1  }
0xa3: {  	[sflag:s23] =	ssyncset.done $0x0  }
0xa4: {  	s25 =	simm.s32 $0x1B8E;
	s24 =	sld [smem:$0x3FFE];
	[sflag:s23] =	ssyncadd.s32 $0xFFFFFFFF  }
0xa5: {  	s26 =	simm.s32 $execute0_lowered;
	[smem:$0x3FD2] =	sst s25  }
0xa6: {  	s4 =	sshll.u32 s26, $0x1;
	_ =	strace $0x80000049;
	[dreg:$0x1] =	wrdreg $0xFFFFFFFF  }
0xa7: {  	s28 =	simm.s32 $_size_execute0_lowered;
	s2 =	sadd.s32 s2, s4;
	[dreg:$0x0] =	wrdreg $0x0  }
0xa8: {  	s4 =	sshll.u32 s28, $0x1;
	[dreg:$0x2] =	wrdreg s2  }
0xa9: {  	[dreg:$0x3] =	wrdreg s4  }
0xaa: {  	[dreg:$0x4] =	wrdreg $0xC0  }
0xab: {  	_ =	task [dreg:s6], $0x5FFFF  }
0xac: {  	[dreg:$0x1] =	wrdreg $0xFFFFFFFF  }
0xad: {  	[dreg:$0x0] =	wrdreg $0x60  }
0xae: {  	[dreg:$0x2] =	wrdreg s24  }
0xaf: {  	[dreg:$0x3] =	wrdreg $0x9  }
0xb0: {  	_ =	task.clear_ibuf [dreg:s6], $0x4FFFF;
	_ =	strace $0x90000049  }
0xb1: {  	s29 =	simm.s32 $0x9;
	_ =	strace $0x8000004B  }
0xb2: {  	_ =	swait.ge [sflag:s29], $0x1  }
0xb3: {  	[sflag:s29] =	ssyncadd.s32 $0xFFFFFFFF  }
0xb4: {  	_ =	strace $0x9000004B  }
0xb5: {  	_ =	sfence  }
0xb6: {  	s30 =	sld [smem:$0x0];
	_ =	sdelay $0x2  }
0xb7: {  	s31 =	sshll.u32 s1, $0xD;
	s1 =	sshrl.u32 s1, $0x2  }
0xb8: {  	s3 =	sand.u32 $0x4000, s31;
	s1 =	sadd.s32 s1, s30  }
0xb9: {  	s0 =	sor.u32 s3, s0;
	s1 =	sshll.u32 s1, $0x11  }
0xba: {  	s0 =	sor.u32 s1, s0  }
0xbb: {  	s0 =	sadd.s32 $0x8F2B, s0  }
0xbc: {  	[sflag:s0] =	ssyncadd.remote.s32 $0x1  }
0xbd: {  	_ =	sfence.sel $0xFFFF  }
0xbe: {  	[dreg:$0x0] =	wrdreg $0xFFFFFFFF;
	(pc) =	sbr.abs _section_cstart, $3  }
0xbf: {  	[dreg:$0x1] =	wrdreg $0xFFFFFFFF  }
0xc0: {  	_ =	task.clear_ibuf [dreg:s6], $0x2FFFF;
	_ =	strace $0x9FFFFFFF  }
0xc1: {  	(tm) =	ssettm $0x7FFFFFFF  }
tec
execute0_lowered:
.L_overlay_start_1:
0x0: {  	(tag) =	ssettag $0x1  }
0x1: {  	s0 =	rddreg [dreg:$0x0];
	s2 =	simm.s32 $0x0  }
0x2: {  	s3 =	srdreg.scid;
	s12 =	simm.s32 $0xC00;
	[smem:$0x7FF] =	sst s2  }
0x3: {  	s13 =	simm.s32 $0x1400;
	_ =	strace $0x8000004A;
	[dreg:$0x3] =	wrdreg s12  }
0x4: {  	s1 =	stileid.u32;
	s14 =	simm.s32 $0x1C00;
	[dreg:$0x4] =	wrdreg s13  }
0x5: {  	s15 =	simm.s32 $0x2400;
	s16 =	simm.s32 $0x2C00;
	[dreg:$0x5] =	wrdreg s14  }
0x6: {  	s17 =	simm.s32 $0x3400;
	s18 =	simm.s32 $0x3C00;
	[dreg:$0x6] =	wrdreg s15  }
0x7: {  	s20 =	simm.s32 $0x4400;
	s21 =	simm.s32 $0x4C00;
	[dreg:$0x7] =	wrdreg s16  }
0x8: {  	s23 =	simm.s32 $0x5400;
	s24 =	simm.s32 $0x5C00;
	[dreg:$0x8] =	wrdreg s17  }
0x9: {  	s9 =	simm.s32 $0x6400;
	s25 =	simm.s32 $0x6C00;
	[dreg:$0x9] =	wrdreg s18  }
0xa: {  	s26 =	simm.s32 $0x7400;
	s31 =	simm.s32 $0x7C00;
	[dreg:$0xa] =	wrdreg s20  }
0xb: {  	s10 =	simm.s32 $0x400;
	s28 =	simm.s32 $0x2;
	[dreg:$0xb] =	wrdreg s21  }
0xc: {  	s29 =	simm.s32 $0x3;
	s30 =	simm.s32 $0x0;
	[dreg:$0xc] =	wrdreg s23  }
0xd: {  	s4 =	sand.u32 $0x1, s3;
	s11 =	sshll.u32 s1, $0x10;
	[dreg:$0xd] =	wrdreg s24  }
0xe: {  	s6 =	sshll.u32 s1, $0x8;
	s3 =	sadd.s32 s11, s0;
	[dreg:$0xe] =	wrdreg s9  }
0xf: {  	s5 =	sshll.u32 s4, $0xF;
	s7 =	sshll.u32 s4, $0x7;
	[dreg:$0xf] =	wrdreg s25  }
0x10: {  	s4 =	ssub.s32 $0x2, s4;
	s9 =	simm.s32 $0x1;
	[dreg:$0x10] =	wrdreg s26  }
0x11: {  	[dreg:$0x11] =	wrdreg s31;
	s11 =	simm.s32 $0x8400;
	s12 =	simm.s32 $0x8C00  }
0x12: {  	s13 =	simm.s32 $0x9400;
	s14 =	simm.s32 $0x9C00;
	s15 =	simm.s32 $0xA400  }
0x13: {  	s16 =	simm.s32 $0xAC00;
	s17 =	simm.s32 $0xB400;
	s18 =	simm.s32 $0xBC00  }
0x14: {  	s20 =	simm.s32 $0xCC00;
	s21 =	simm.s32 $0xD400;
	s23 =	simm.s32 $0xE400  }
0x15: {  	s24 =	simm.s32 $0xEC00;
	s25 =	simm.s32 $0xF400;
	s26 =	simm.s32 $0xFC00  }
0x16: {  	s3 =	sadd.s32 s5, s3;
	s6 =	sor.u32 s7, s6;
	s19 =	sshrl.u32 s4, $0x1  }
0x17: {  	s5 =	sadd.s32 $0x171500, s0;
	s7 =	sadd.s32 $0x171700, s0;
	[dreg:$0x2] =	wrdreg s3  }
0x18: {  	v2 =	vlaneseq.u32;
	s3 =	sadd.s32 $0x171400, s0;
	s6 =	sadd.s32 s6, s0;
	s8 =	ssub.s32 s4, s19  }
0x19: {  	vm0 =	vmmov $0xffff;
	v1 =	vshrl.u32 v2, $0x3;
	s19 =	simm.s32 $0xC400;
	s22 =	sadd.s32 $0x170000, s6;
	s6 =	sadd.s32 $0x171600, s0  }
0x1a: {  	v0 =	vand.u32 $0x7, v2;
	v2 =	vor.u32 $0x8, v2;
	v1 =	vmul.u32 $0x8, v1;
	s8 =	smax.u32 s8, $0x1;
	[dreg:$0x12] =	wrdreg s22;
	s22 =	simm.s32 $0xDC00  }
.LBB2_1:
0x1b: {  	s0 =	rddreg [dreg:$0x12]  }
0x1c: {  	[tilespmem:s2], [sflag:$0x1] =	stream.linear.gather [hbm4b:s0+s2], $0x400, $0x38;
	[tilespmem:$0x10400] =	vst v63  }
0x1d: {  	_ =	swait.ge [sflag:s9], $0x400  }
0x1e: {  	[sflag:s9] =	ssyncset.done $0x0  }
0x1f: {  	s31 =	simm.s32 $0x90;
	s0 =	simm.s32 $0x0;
	[sflag:s9] =	ssyncadd.s32 $0xFFFFFC00  }
.LBB2_2:
0x20: {  	v3 =	vld [tilespmem:s31+$0xFFFFFF70];
	_ =	sdelay $0x4  }
0x21: {  	v4 =	vshll.u32 v3, $0x3  }
0x22: {  	v3 =	vand.u32 $0x7, v3;
	v4 =	vand.u32 $0xFFFFFFC0, v4  }
0x23: {  	v3 =	vor.u32 v3, v4  }
0x24: {  	v4 =	vperm.xlane v3, v0;
	_ =	sdelay $0x1  }
0x25: {  	v4 =	vadd.s32 v1, v4;
	_ =	sdelay $0x4  }
0x26: {  	[tilespmem:s10], [sflag:$0x1] =	stream.indirect_vreg.gather [hbm4b:s3+s2], $0x80, v4, vm0, $0xb8;
	[tilespmem:$0x10400] =	vst v63  }
0x27: {  	s1 =	rddreg [dreg:$0x3];
	v3 =	vperm.xlane v3, v2  }
0x28: {  	[tilespmem:s1], [sflag:$0x1] =	stream.indirect_vreg.gather [hbm4b:s5+s2], $0x80, v4, vm0, $0xb8;
	[tilespmem:$0x10400] =	vst v63  }
0x29: {  	s4 =	rddreg [dreg:$0x4];
	v3 =	vadd.s32 v1, v3  }
0x2a: {  	[tilespmem:s4], [sflag:$0x1] =	stream.indirect_vreg.gather [hbm4b:s6+s2], $0x80, v4, vm0, $0xb8;
	[tilespmem:$0x10400] =	vst v63  }
0x2b: {  	s1 =	rddreg [dreg:$0x5]  }
0x2c: {  	[tilespmem:s1], [sflag:$0x1] =	stream.indirect_vreg.gather [hbm4b:s7+s2], $0x80, v4, vm0, $0xb8;
	[tilespmem:$0x10400] =	vst v63  }
0x2d: {  	s4 =	rddreg [dreg:$0x6]  }
0x2e: {  	[tilespmem:s4], [sflag:$0x1] =	stream.indirect_vreg.gather [hbm4b:s3+s2], $0x80, v3, vm0, $0xb8;
	[tilespmem:$0x10400] =	vst v63  }
0x2f: {  	s1 =	rddreg [dreg:$0x7]  }
0x30: {  	[tilespmem:s1], [sflag:$0x1] =	stream.indirect_vreg.gather [hbm4b:s5+s2], $0x80, v3, vm0, $0xb8;
	[tilespmem:$0x10400] =	vst v63  }
0x31: {  	s4 =	rddreg [dreg:$0x8]  }
0x32: {  	[tilespmem:s4], [sflag:$0x1] =	stream.indirect_vreg.gather [hbm4b:s6+s2], $0x80, v3, vm0, $0xb8;
	[tilespmem:$0x10400] =	vst v63  }
0x33: {  	s1 =	rddreg [dreg:$0x9]  }
0x34: {  	[tilespmem:s1], [sflag:$0x1] =	stream.indirect_vreg.gather [hbm4b:s7+s2], $0x80, v3, vm0, $0xb8;
	[tilespmem:$0x10400] =	vst v63  }
0x35: {  	v3 =	vld [tilespmem:s31+$0xFFFFFF80];
	_ =	sdelay $0x4  }
0x36: {  	v61 =	vshll.u32 v3, $0x3  }
0x37: {  	v3 =	vand.u32 $0x7, v3;
	v4 =	vand.u32 $0xFFFFFFC0, v61  }
0x38: {  	v3 =	vor.u32 v3, v4  }
0x39: {  	v4 =	vperm.xlane v3, v0;
	_ =	sdelay $0x1  }
0x3a: {  	v4 =	vadd.s32 v1, v4;
	_ =	sdelay $0x3  }
0x3b: {  	s1 =	rddreg [dreg:$0xa]  }
0x3c: {  	[tilespmem:s1], [sflag:$0x1] =	stream.indirect_vreg.gather [hbm4b:s3+s2], $0x80, v4, vm0, $0xb8;
	[tilespmem:$0x10400] =	vst v63  }
0x3d: {  	s4 =	rddreg [dreg:$0xb];
	v3 =	vperm.xlane v3, v2  }
0x3e: {  	[tilespmem:s4], [sflag:$0x1] =	stream.indirect_vreg.gather [hbm4b:s5+s2], $0x80, v4, vm0, $0xb8;
	[tilespmem:$0x10400] =	vst v63  }
0x3f: {  	v3 =	vadd.s32 v1, v3;
	s1 =	rddreg [dreg:$0xc]  }
0x40: {  	[tilespmem:s1], [sflag:$0x1] =	stream.indirect_vreg.gather [hbm4b:s6+s2], $0x80, v4, vm0, $0xb8;
	[tilespmem:$0x10400] =	vst v63  }
0x41: {  	s4 =	rddreg [dreg:$0xd]  }
0x42: {  	[tilespmem:s4], [sflag:$0x1] =	stream.indirect_vreg.gather [hbm4b:s7+s2], $0x80, v4, vm0, $0xb8;
	[tilespmem:$0x10400] =	vst v63  }
0x43: {  	s1 =	rddreg [dreg:$0xe]  }
0x44: {  	[tilespmem:s1], [sflag:$0x1] =	stream.indirect_vreg.gather [hbm4b:s3+s2], $0x80, v3, vm0, $0xb8;
	[tilespmem:$0x10400] =	vst v63  }
0x45: {  	s4 =	rddreg [dreg:$0xf]  }
0x46: {  	[tilespmem:s4], [sflag:$0x1] =	stream.indirect_vreg.gather [hbm4b:s5+s2], $0x80, v3, vm0, $0xb8;
	[tilespmem:$0x10400] =	vst v63  }
0x47: {  	s1 =	rddreg [dreg:$0x10]  }
0x48: {  	[tilespmem:s1], [sflag:$0x1] =	stream.indirect_vreg.gather [hbm4b:s6+s2], $0x80, v3, vm0, $0xb8;
	[tilespmem:$0x10400] =	vst v63  }
0x49: {  	s4 =	rddreg [dreg:$0x11]  }
0x4a: {  	[tilespmem:s4], [sflag:$0x1] =	stream.indirect_vreg.gather [hbm4b:s7+s2], $0x80, v3, vm0, $0xb8;
	[tilespmem:$0x10400] =	vst v63  }
0x4b: {  	v3 =	vld [tilespmem:s31+$0xFFFFFFF0];
	_ =	sdelay $0x4  }
0x4c: {  	v62 =	vshll.u32 v3, $0x3  }
0x4d: {  	v3 =	vand.u32 $0x7, v3;
	v4 =	vand.u32 $0xFFFFFFC0, v62  }
0x4e: {  	v3 =	vor.u32 v3, v4  }
0x4f: {  	v4 =	vperm.xlane v3, v0;
	_ =	sdelay $0x1  }
0x50: {  	v4 =	vadd.s32 v1, v4;
	_ =	sdelay $0x4  }
0x51: {  	[tilespmem:s11], [sflag:$0x2] =	stream.indirect_vreg.gather [hbm4b:s3+s2], $0x80, v4, vm0, $0xb8;
	[tilespmem:$0x10400] =	vst v63  }
0x52: {  	v3 =	vperm.xlane v3, v2  }
0x53: {  	[tilespmem:s12], [sflag:$0x2] =	stream.indirect_vreg.gather [hbm4b:s5+s2], $0x80, v4, vm0, $0xb8;
	[tilespmem:$0x10400] =	vst v63  }
0x54: {  	v3 =	vadd.s32 v1, v3  }
0x55: {  	[tilespmem:s13], [sflag:$0x2] =	stream.indirect_vreg.gather [hbm4b:s6+s2], $0x80, v4, vm0, $0xb8;
	[tilespmem:$0x10400] =	vst v63  }
0x56: {  	_ = 	snop  }
0x57: {  	[tilespmem:s14], [sflag:$0x2] =	stream.indirect_vreg.gather [hbm4b:s7+s2], $0x80, v4, vm0, $0xb8;
	[tilespmem:$0x10400] =	vst v63  }
0x58: {  	_ = 	snop  }
0x59: {  	[tilespmem:s15], [sflag:$0x2] =	stream.indirect_vreg.gather [hbm4b:s3+s2], $0x80, v3, vm0, $0xb8;
	[tilespmem:$0x10400] =	vst v63  }
0x5a: {  	_ = 	snop  }
0x5b: {  	[tilespmem:s16], [sflag:$0x2] =	stream.indirect_vreg.gather [hbm4b:s5+s2], $0x80, v3, vm0, $0xb8;
	[tilespmem:$0x10400] =	vst v63  }
0x5c: {  	_ = 	snop  }
0x5d: {  	[tilespmem:s17], [sflag:$0x2] =	stream.indirect_vreg.gather [hbm4b:s6+s2], $0x80, v3, vm0, $0xb8;
	[tilespmem:$0x10400] =	vst v63  }
0x5e: {  	_ = 	snop  }
0x5f: {  	[tilespmem:s18], [sflag:$0x2] =	stream.indirect_vreg.gather [hbm4b:s7+s2], $0x80, v3, vm0, $0xb8;
	[tilespmem:$0x10400] =	vst v63  }
0x60: {  	v3 =	vld [tilespmem:s31+$0x0];
	_ =	sdelay $0x4  }
0x61: {  	v63 =	vshll.u32 v3, $0x3  }
0x62: {  	v3 =	vand.u32 $0x7, v3;
	v4 =	vand.u32 $0xFFFFFFC0, v63  }
0x63: {  	v3 =	vor.u32 v3, v4  }
0x64: {  	v4 =	vperm.xlane v3, v0;
	_ =	sdelay $0x1  }
0x65: {  	v4 =	vadd.s32 v1, v4;
	_ =	sdelay $0x4  }
0x66: {  	[tilespmem:s19], [sflag:$0x2] =	stream.indirect_vreg.gather [hbm4b:s3+s2], $0x80, v4, vm0, $0xb8;
	[tilespmem:$0x10400] =	vst v63  }
0x67: {  	v3 =	vperm.xlane v3, v2  }
0x68: {  	[tilespmem:s20], [sflag:$0x2] =	stream.indirect_vreg.gather [hbm4b:s5+s2], $0x80, v4, vm0, $0xb8;
	[tilespmem:$0x10400] =	vst v63  }
0x69: {  	v3 =	vadd.s32 v1, v3  }
0x6a: {  	[tilespmem:s21], [sflag:$0x2] =	stream.indirect_vreg.gather [hbm4b:s6+s2], $0x80, v4, vm0, $0xb8;
	[tilespmem:$0x10400] =	vst v63  }
0x6b: {  	_ = 	snop  }
0x6c: {  	[tilespmem:s22], [sflag:$0x2] =	stream.indirect_vreg.gather [hbm4b:s7+s2], $0x80, v4, vm0, $0xb8;
	[tilespmem:$0x10400] =	vst v63  }
0x6d: {  	_ = 	snop  }
0x6e: {  	[tilespmem:s23], [sflag:$0x2] =	stream.indirect_vreg.gather [hbm4b:s3+s2], $0x80, v3, vm0, $0xb8;
	[tilespmem:$0x10400] =	vst v63  }
0x6f: {  	_ = 	snop  }
0x70: {  	[tilespmem:s24], [sflag:$0x2] =	stream.indirect_vreg.gather [hbm4b:s5+s2], $0x80, v3, vm0, $0xb8;
	[tilespmem:$0x10400] =	vst v63  }
0x71: {  	_ = 	snop  }
0x72: {  	[tilespmem:s25], [sflag:$0x2] =	stream.indirect_vreg.gather [hbm4b:s6+s2], $0x80, v3, vm0, $0xb8;
	[tilespmem:$0x10400] =	vst v63  }
0x73: {  	_ = 	snop  }
0x74: {  	[tilespmem:s26], [sflag:$0x2] =	stream.indirect_vreg.gather [hbm4b:s7+s2], $0x80, v3, vm0, $0xb8;
	[tilespmem:$0x10400] =	vst v63  }
0x75: {  	_ =	swait.ge [sflag:s9], $0x8000  }
0x76: {  	s4 =	rddreg [dreg:$0x2];
	[sflag:s9] =	ssyncset.done $0x0  }
0x77: {  	[sflag:s9] =	ssyncadd.s32 $0xFFFF8000;
	s1 =	sadd.s32 s0, s4  }
0x78: {  	[hbm4b:s1+s2] =	stream.linear.scatter [tilespmem:s10], [sflag:$0x3], $0x8000, $0x38;
	[tilespmem:$0x10400] =	vst v63  }
0x79: {  	_ =	swait.ge [sflag:s28], $0x8000  }
0x7a: {  	[sflag:s28] =	ssyncset.done $0x0  }
0x7b: {  	s1 =	sadd.s32 $0x1000, s1;
	[sflag:s28] =	ssyncadd.s32 $0xFFFF8000  }
0x7c: {  	[hbm4b:s1+s2] =	stream.linear.scatter [tilespmem:s11], [sflag:$0x3], $0x8000, $0x38;
	[tilespmem:$0x10400] =	vst v63  }
0x7d: {  	p0 =	sne.s32 s0, $0x6000;
	_ =	swait.ge [sflag:s29], $0x8000  }
.Ltmp0:
0x7e: {  	[sflag:s29] =	ssyncset.done $0x0;
	(pc) =	sbr.rel @p0 .LBB2_2-.Ltmp0, $4  }
0x7f: {  	[sflag:s29] =	ssyncadd.s32 $0xFFFF8000  }
0x80: {  	_ =	swait.ge [sflag:s29], $0x8000  }
0x81: {  	[sflag:s29] =	ssyncset.done $0x0  }
0x82: {  	s31 =	sadd.s32 $0x100, s31;
	s0 =	sadd.s32 $0x2000, s0;
	[sflag:s29] =	ssyncadd.s32 $0xFFFF8000  }
0x83: {  	s30 =	sadd.s32 $0x1, s30  }
0x84: {  	p0 =	sne.s32 s30, s8  }
.Ltmp1:
0x85: {  	_ = 	snop;
	(pc) =	sbr.rel @p0 .LBB2_1-.Ltmp1, $1  }
0x86: {  	_ =	sdelay $0x3  }
0x87: {  	_ =	sfence.sel $0x180000  }
0x88: {  	[bflag:$0x0] =	sbarrier.arrive $0xFFFF  }
0x89: {  	_ =	strace $0x9000004A  }
0x8a: {  	s0 =	stileid.u32;
	[bflag:$0x2] =	sbarrier.arrive $0xFFFF  }
0x8b: {  	p0 =	sne.s32 s0, $0x0;
	s0 =	rddreg [dreg:$0x1]  }
0x8c: {  	s0 =	sadd.s32 @!p0 $0x100000, s0  }
0x8d: {  	[sflag:s0] =	ssyncadd.tile.s32 @!p0 $0x1;
	_ =	shalt  }
.Lfunc_end2:
_tile_overlayer_lowered:
.L_overlay_start_2:
0x8e: {  	(tag) =	ssettag $0x2  }
0x8f: {  	s0 =	rddreg [dreg:$0x0];
	s2 =	stileid.u32  }
0x90: {  	s1 =	rddreg [dreg:$0x1];
	p0 =	sne.s32 s2, $0x0  }
0x91: {  	s3 =	rddreg [dreg:$0x2];
	[bflag:$0x3] =	sbarrier.arrive $0xFFFF;
	s2 =	simm.s32 @!p0 $0x1C04  }
0x92: {  	[timem:s3], [sflag:s2] =	dma.local @!p0 [hbm:s0], s1  }
0x93: {  	s0 =	simm.s32 @!p0 $0x4  }
0x94: {  	_ =	swait.ge @!p0 [sflag:s0], s1  }
0x95: {  	s1 =	ssub.s32 @!p0 $0x0, s1;
	[sflag:s0] =	ssyncset.done @!p0 $0x0  }
0x96: {  	[sflag:s0] =	ssyncadd.s32 @!p0 s1  }
0x97: {  	[bflag:$0x3] =	sbarrier.arrive $0xFFFF  }
0x98: {  	_ =	shalt  }

</sc_bundles>
